<compile_context>
chip_gen: v7x
topology: tpu7x:2x2x1
jax: 0.10.2.dev20260603
libtpu: 0.0.44.dev20260713+nightly
codegen_flags: <defaults>
</compile_context>

<pallas_src>
import functools

import jax
import jax.numpy as jnp
from jax import lax
from jax.experimental import pallas as pl
from jax.experimental.pallas import tpu as pltpu
from jax.experimental.pallas import tpu_sc as plsc

DIM = 1024
NUM_EXPERTS = 8
HIDDEN = 2730
SEQ = 2048
EPAD = 128

H_TILE = 768
H_PAD = 3072
NH = H_PAD // H_TILE

BLK = 640
NB = 14
NSLOT = NB * BLK

NC = 2
NS = 16
NW = NC * NS
TW = SEQ // NW
CH = 32



def _router_kernel(x_ref, rw_ref, d0_ref, d1_ref, w0_ref, w1_ref,
                   cnt_ref, lb_ref, z_ref):
    x = x_ref[...]
    rw = rw_ref[...]
    logits = lax.dot_general(
        x, rw, (((1,), (1,)), ((), ())), preferred_element_type=jnp.float32
    )
    lane = lax.broadcasted_iota(jnp.int32, (SEQ, EPAD), 1)
    valid = lane < NUM_EXPERTS
    neg = jnp.float32(-1e30)
    lm = jnp.where(valid, logits, neg)
    m1 = jnp.max(lm, axis=1, keepdims=True)
    i1 = jnp.min(jnp.where(lm == m1, lane, EPAD), axis=1, keepdims=True)
    lm2 = jnp.where(lane == i1, neg, lm)
    m2 = jnp.max(lm2, axis=1, keepdims=True)
    i2 = jnp.min(jnp.where(lm2 == m2, lane, EPAD), axis=1, keepdims=True)
    e2 = jnp.exp(m2 - m1)
    w0 = 1.0 / (1.0 + e2)
    w0_ref[...] = jnp.broadcast_to(w0, (SEQ, 16))
    w1_ref[...] = jnp.broadcast_to(1.0 - w0, (SEQ, 16))
    p = jnp.where(valid, jnp.exp(lm - m1), 0.0)
    s = jnp.sum(p, axis=1, keepdims=True)
    probs = p / s
    usage = jnp.sum(probs, axis=0, keepdims=True) / SEQ
    lb_ref[...] = NUM_EXPERTS * jnp.sum(usage * usage, keepdims=True)
    zvec = jnp.log(s) + m1
    z_ref[...] = jnp.sum(zvec * zvec, axis=0, keepdims=True) / SEQ

    ohc = ((lane == i1) | (lane == i2 + 8)).astype(jnp.int32)
    incl = ohc
    sh = 1
    while sh < SEQ:
        z = jnp.zeros((sh, EPAD), jnp.int32)
        incl = incl + jnp.concatenate([z, incl[: SEQ - sh]], axis=0)
        sh *= 2
    excl = incl - ohc
    tot = incl[SEQ - 1:SEQ, :]
    row_lane = lax.broadcasted_iota(jnp.int32, (1, EPAD), 1)

    def shl(v, s):
        return jnp.concatenate(
            [v[:, s:], jnp.zeros((1, s), jnp.int32)], axis=1)

    def shr(v, s):
        return jnp.concatenate(
            [jnp.zeros((1, s), jnp.int32), v[:, : EPAD - s]], axis=1)

    counts_i = jnp.where(row_lane < 8, tot + shl(tot, 8), 0)
    cnt_ref[...] = counts_i
    pad_i = ((counts_i + (BLK - 1)) // BLK) * BLK
    acc = pad_i
    for s in (1, 2, 4):
        acc = acc + shr(acc, s)
    off_i = jnp.where(row_lane < 8, acc - pad_i, 0)
    tot0_i = jnp.where(row_lane < 8, tot, 0)
    base1 = jnp.where((row_lane >= 8) & (row_lane < 16),
                      shr(off_i + tot0_i, 8), 0)
    base_all = jnp.where(row_lane < 8, off_i, 0) + base1
    dest_all = excl + base_all
    d0_ref[...] = jnp.sum(
        jnp.where(lane == i1, dest_all, 0), axis=1, keepdims=True)
    d1_ref[...] = jnp.sum(
        jnp.where(lane == i2 + 8, dest_all, 0), axis=1, keepdims=True)



def _dispatch_body(x_hbm, d0_hbm, d1_hbm, xs_hbm, xrows, d0v, d1v, sem):
    wid = lax.axis_index("s") * NC + lax.axis_index("c")
    base = wid * TW
    pltpu.sync_copy(x_hbm.at[pl.ds(base, TW)], xrows)
    pltpu.sync_copy(d0_hbm.at[pl.ds(base, TW)], d0v)
    pltpu.sync_copy(d1_hbm.at[pl.ds(base, TW)], d1v)
    cp0 = pltpu.async_copy(xrows, xs_hbm.at[d0v], sem)
    cp1 = pltpu.async_copy(xrows, xs_hbm.at[d1v], sem)
    cp0.wait()
    cp1.wait()



def _mm_kernel(be_ref, nu_ref, xs_ref, gw_ref, uw_ref, dw_ref, ys_ref):
    b = pl.program_id(0)
    h = pl.program_id(1)

    @pl.when(b < nu_ref[0])
    def _():
        xsb = xs_ref[...]
        g = lax.dot_general(
            xsb, gw_ref[0], (((1,), (1,)), ((), ())),
            preferred_element_type=jnp.float32,
        )
        u = lax.dot_general(
            xsb, uw_ref[0], (((1,), (1,)), ((), ())),
            preferred_element_type=jnp.float32,
        )
        act = (g / (1.0 + jnp.exp(-g))) * u
        hcol = h * H_TILE + lax.broadcasted_iota(jnp.int32, (BLK, H_TILE), 1)
        act = jnp.where(hcol < HIDDEN, act, 0.0)
        dcol = h * H_TILE + lax.broadcasted_iota(jnp.int32, (DIM, H_TILE), 1)
        dw = jnp.where(dcol < HIDDEN, dw_ref[0], 0.0)
        eo = lax.dot_general(
            act, dw, (((1,), (1,)), ((), ())),
            preferred_element_type=jnp.float32,
        )

        @pl.when(h == 0)
        def _():
            ys_ref[...] = eo

        @pl.when(h > 0)
        def _():
            ys_ref[...] = ys_ref[...] + eo



def _combine_body(ys_hbm, d0_hbm, d1_hbm, w0_hbm, w1_hbm, out_hbm,
                  r0, r1, ov, d0v, d1v, w0v, w1v, sem):
    wid = lax.axis_index("s") * NC + lax.axis_index("c")
    for cix in range(TW // CH):
        tb = wid * TW + cix * CH
        pltpu.sync_copy(d0_hbm.at[pl.ds(tb, CH)], d0v)
        pltpu.sync_copy(d1_hbm.at[pl.ds(tb, CH)], d1v)
        pltpu.sync_copy(w0_hbm.at[pl.ds(tb, CH)], w0v)
        pltpu.sync_copy(w1_hbm.at[pl.ds(tb, CH)], w1v)
        cp0 = pltpu.async_copy(ys_hbm.at[d0v], r0, sem)
        cp1 = pltpu.async_copy(ys_hbm.at[d1v], r1, sem)
        cp0.wait()
        cp1.wait()

        def trow(t, _):
            a0 = w0v[t, :]
            a1 = w1v[t, :]

            def col(cc, _):
                sl = pl.ds(cc * 16, 16)
                ov[t, sl] = a0 * r0[t, sl] + a1 * r1[t, sl]
                return 0

            lax.fori_loop(0, DIM // 16, col, 0, unroll=4)
            return 0

        lax.fori_loop(0, CH, trow, 0)
        pltpu.sync_copy(ov, out_hbm.at[pl.ds(tb, CH)])



def kernel(x, router_w, gate_w, up_w, down_w):
    B, S, D = x.shape
    x_flat = x.reshape(S, D)
    rw_pad = jnp.pad(router_w, ((0, EPAD - NUM_EXPERTS), (0, 0)))

    d0c, d1c, w0c, w1c, cnt, lb, zl = pl.pallas_call(
        _router_kernel,
        out_shape=(
            jax.ShapeDtypeStruct((SEQ, 1), jnp.int32),
            jax.ShapeDtypeStruct((SEQ, 1), jnp.int32),
            jax.ShapeDtypeStruct((SEQ, 16), jnp.float32),
            jax.ShapeDtypeStruct((SEQ, 16), jnp.float32),
            jax.ShapeDtypeStruct((1, EPAD), jnp.int32),
            jax.ShapeDtypeStruct((1, 1), jnp.float32),
            jax.ShapeDtypeStruct((1, 1), jnp.float32),
        ),
    )(x_flat, rw_pad)

    d0 = d0c.reshape(SEQ)
    d1 = d1c.reshape(SEQ)

    counts = cnt[0, :NUM_EXPERTS]
    bend = jnp.cumsum((counts + (BLK - 1)) // BLK)
    nu = bend[NUM_EXPERTS - 1].reshape(1).astype(jnp.int32)
    be = jnp.minimum(
        jnp.sum((jnp.arange(NB)[:, None] >= bend[None, :]).astype(jnp.int32),
                axis=1),
        NUM_EXPERTS - 1,
    ).astype(jnp.int32)

    mesh = plsc.VectorSubcoreMesh(core_axis_name="c", subcore_axis_name="s", num_cores=NC, num_subcores=NS)

    xs = pl.kernel(
        _dispatch_body,
        out_type=jax.ShapeDtypeStruct((NSLOT, DIM), jnp.float32),
        mesh=mesh,
        scratch_types=[
            pltpu.VMEM((TW, DIM), jnp.float32),
            pltpu.VMEM((TW,), jnp.int32),
            pltpu.VMEM((TW,), jnp.int32),
            pltpu.SemaphoreType.DMA,
        ],
    )(x_flat, d0, d1)

    ys = pl.pallas_call(
        _mm_kernel,
        grid_spec=pltpu.PrefetchScalarGridSpec(
            num_scalar_prefetch=2,
            grid=(NB, NH),
            in_specs=[
                pl.BlockSpec((BLK, DIM),
                             lambda b, h, be, nu: (jnp.minimum(b, nu[0] - 1), 0)),
                pl.BlockSpec((1, H_TILE, DIM), lambda b, h, be, nu: (be[b], h, 0)),
                pl.BlockSpec((1, H_TILE, DIM), lambda b, h, be, nu: (be[b], h, 0)),
                pl.BlockSpec((1, DIM, H_TILE), lambda b, h, be, nu: (be[b], 0, h)),
            ],
            out_specs=pl.BlockSpec(
                (BLK, DIM), lambda b, h, be, nu: (jnp.minimum(b, nu[0] - 1), 0)),
        ),
        out_shape=jax.ShapeDtypeStruct((NSLOT, DIM), jnp.float32),
        compiler_params=pltpu.CompilerParams(
            dimension_semantics=("parallel", "arbitrary"),
        ),
    )(be, nu, xs, gate_w, up_w, down_w)

    out = pl.kernel(
        _combine_body,
        out_type=jax.ShapeDtypeStruct((SEQ, DIM), jnp.float32),
        mesh=plsc.VectorSubcoreMesh(core_axis_name="c", subcore_axis_name="s", num_cores=NC, num_subcores=NS),
        scratch_types=[
            pltpu.VMEM((CH, DIM), jnp.float32),
            pltpu.VMEM((CH, DIM), jnp.float32),
            pltpu.VMEM((CH, DIM), jnp.float32),
            pltpu.VMEM((CH,), jnp.int32),
            pltpu.VMEM((CH,), jnp.int32),
            pltpu.VMEM((CH, 16), jnp.float32),
            pltpu.VMEM((CH, 16), jnp.float32),
            pltpu.SemaphoreType.DMA,
        ],
    )(ys, d0, d1, w0c, w1c)

    return (out.reshape(B, S, D), lb.reshape(()), zl.reshape(()))

# --- scband reference (transcript-rebuilt; emitter-appended) ---
"""Pipeline reference for scband-mixture-of-experts-38585986187450 (READ-ONLY COPY).

The authoritative reference and input builder live on the scoring server;
editing this copy changes nothing except your own understanding.
"""

import jax, jax.numpy as jnp
import numpy as np

DIM = 1024
NUM_EXPERTS = 8
TOP_K = 2
HIDDEN = int(2 * 4 * DIM / 3)  # 2730, matches torch int(2*hidden_mult*dim/3)
BATCH = 1
SEQ = 2048


def setup_inputs(seed: int = 0) -> dict:
    key = jax.random.key(seed)
    ks = jax.random.split(key, 5)
    x = jax.random.normal(ks[0], (BATCH, SEQ, DIM), dtype=jnp.float32)
    router_w = jax.random.normal(ks[1], (NUM_EXPERTS, DIM), dtype=jnp.float32) * 0.02
    gate_w = jax.random.normal(ks[2], (NUM_EXPERTS, HIDDEN, DIM), dtype=jnp.float32) * 0.02
    up_w = jax.random.normal(ks[3], (NUM_EXPERTS, HIDDEN, DIM), dtype=jnp.float32) * 0.02
    down_w = jax.random.normal(ks[4], (NUM_EXPERTS, DIM, HIDDEN), dtype=jnp.float32) * 0.02
    return {"x": x, "router_w": router_w, "gate_w": gate_w, "up_w": up_w, "down_w": down_w}


def reference(x, router_w, gate_w, up_w, down_w):
    B, S, D = x.shape
    x_flat = x.reshape(-1, D)
    T = x_flat.shape[0]
    # Router
    router_logits = x_flat @ router_w.T  # (T, E)
    topk_logits, topk_idx = jax.lax.top_k(router_logits, TOP_K)
    routing_weights = jax.nn.softmax(topk_logits, axis=-1)  # (T, K)
    # Scatter routing weights into dense (T, E) weight matrix (zeros for unselected experts)
    full_w = jnp.zeros((T, NUM_EXPERTS), dtype=x.dtype).at[
        jnp.arange(T)[:, None], topk_idx
    ].add(routing_weights)
    # Expert computation: SwiGLU FFN per expert, weighted combine.
    # Mathematically identical to the torch gather/scatter formulation:
    # output[t] = sum_e w[t,e] * FFN_e(x[t]) with w[t,e]=0 for non-top-k experts.
    out = jnp.zeros_like(x_flat)
    for e in range(NUM_EXPERTS):
        gate = jax.nn.silu(x_flat @ gate_w[e].T)
        up = x_flat @ up_w[e].T
        eo = (gate * up) @ down_w[e].T
        out = out + full_w[:, e:e + 1] * eo
    output = out.reshape(B, S, D)
    # Aux losses
    router_probs = jax.nn.softmax(router_logits, axis=-1)
    expert_usage = router_probs.mean(axis=0)
    load_balance_loss = NUM_EXPERTS * (expert_usage ** 2).sum()
    router_z_loss = (jax.scipy.special.logsumexp(router_logits, axis=-1) ** 2).mean()
    return (output, load_balance_loss, router_z_loss)

if __name__ == "__main__":
    import jax
    _d = setup_inputs()
    print(jax.jit(kernel)(*tuple(_d.values())))

</pallas_src>

<mosaic_0001>
#map = affine_map<(d0, d1) -> (0, 0)>
#map1 = affine_map<(d0, d1) -> (0)>
module attributes {stable_mosaic.version = 14 : i64} {
  func.func @_dispatch_body(%arg0: i32, %arg1: i32, %arg2: memref<2048x1024xf32, #tpu.memory_space<hbm>>, %arg3: memref<2048xi32, #tpu.memory_space<hbm>>, %arg4: memref<2048xi32, #tpu.memory_space<hbm>>, %arg5: memref<8960x1024xf32, #tpu.memory_space<hbm>>, %arg6: memref<64x1024xf32, #tpu.memory_space<vmem>>, %arg7: memref<64xi32, #tpu.memory_space<vmem>>, %arg8: memref<64xi32, #tpu.memory_space<vmem>>, %arg9: memref<!tpu.dma_semaphore, #tpu.memory_space<semaphore_mem>>) attributes {dimension_semantics = [#tpu.dimension_semantics<core_parallel>, #tpu.dimension_semantics<subcore_parallel>], iteration_bounds = array<i64: 2, 16>, scalar_prefetch = 0 : i64, scratch_operands = 4 : i64, tpu.core_type = #tpu.core_type<sc_vector_subcore>, window_params = [{transform_indices = #map}, {transform_indices = #map1}, {transform_indices = #map1}, {transform_indices = #map}]} {
    %mul3A = arith.constant 2 : i32
    %mul3A_0 = arith.muli %arg1, %mul3A : i32
    %add3A = arith.addi %mul3A_0, %arg0 : i32
    %mul3A_1 = arith.constant 64 : i32
    %mul3A_2 = arith.muli %add3A, %mul3A_1 : i32
    "tpu.region"() ({
      %run_scoped3A = tpu.sem_alloc : memref<!tpu.dma_semaphore, #tpu.memory_space<semaphore_mem>>
      %dma_start3A_13 = arith.constant 0 : i32
      %dma_start3A_14 = tpu.memref_slice %arg2[%mul3A_2, %dma_start3A_13] : memref<2048x1024xf32, #tpu.memory_space<hbm>> -> memref<64x1024xf32, #tpu.memory_space<hbm>>
      %dma_start3A_15 = arith.constant 0 : i32
      %dma_start3A_16 = tpu.memref_slice %arg2[%mul3A_2, %dma_start3A_15] : memref<2048x1024xf32, #tpu.memory_space<hbm>> -> memref<64x1024xf32, #tpu.memory_space<hbm>>
      tpu.enqueue_dma source(%dma_start3A_16 : memref<64x1024xf32, #tpu.memory_space<hbm>>) target(%arg6 : memref<64x1024xf32, #tpu.memory_space<vmem>>) target_semaphore(%run_scoped3A : memref<!tpu.dma_semaphore, #tpu.memory_space<semaphore_mem>>)
      %dma_wait3A_17 = arith.constant 0 : i32
      %dma_wait3A_18 = tpu.memref_slice %arg2[%mul3A_2, %dma_wait3A_17] : memref<2048x1024xf32, #tpu.memory_space<hbm>> -> memref<64x1024xf32, #tpu.memory_space<hbm>>
      %dma_wait3A_19 = arith.constant 0 : i32
      %dma_wait3A_20 = tpu.memref_slice %arg2[%mul3A_2, %dma_wait3A_19] : memref<2048x1024xf32, #tpu.memory_space<hbm>> -> memref<64x1024xf32, #tpu.memory_space<hbm>>
      tpu.wait_dma2 semaphore(%run_scoped3A : memref<!tpu.dma_semaphore, #tpu.memory_space<semaphore_mem>>) src(%dma_wait3A_20 : memref<64x1024xf32, #tpu.memory_space<hbm>>) dst(%arg6 : memref<64x1024xf32, #tpu.memory_space<vmem>>)
      tpu.yield
    }) : () -> ()
    "tpu.region"() ({
      %run_scoped3A = tpu.sem_alloc : memref<!tpu.dma_semaphore, #tpu.memory_space<semaphore_mem>>
      %dma_start3A_13 = tpu.memref_slice %arg3[%mul3A_2] : memref<2048xi32, #tpu.memory_space<hbm>> -> memref<64xi32, #tpu.memory_space<hbm>>
      %dma_start3A_14 = tpu.memref_slice %arg3[%mul3A_2] : memref<2048xi32, #tpu.memory_space<hbm>> -> memref<64xi32, #tpu.memory_space<hbm>>
      tpu.enqueue_dma source(%dma_start3A_14 : memref<64xi32, #tpu.memory_space<hbm>>) target(%arg7 : memref<64xi32, #tpu.memory_space<vmem>>) target_semaphore(%run_scoped3A : memref<!tpu.dma_semaphore, #tpu.memory_space<semaphore_mem>>)
      %dma_wait3A_15 = tpu.memref_slice %arg3[%mul3A_2] : memref<2048xi32, #tpu.memory_space<hbm>> -> memref<64xi32, #tpu.memory_space<hbm>>
      %dma_wait3A_16 = tpu.memref_slice %arg3[%mul3A_2] : memref<2048xi32, #tpu.memory_space<hbm>> -> memref<64xi32, #tpu.memory_space<hbm>>
      tpu.wait_dma2 semaphore(%run_scoped3A : memref<!tpu.dma_semaphore, #tpu.memory_space<semaphore_mem>>) src(%dma_wait3A_16 : memref<64xi32, #tpu.memory_space<hbm>>) dst(%arg7 : memref<64xi32, #tpu.memory_space<vmem>>)
      tpu.yield
    }) : () -> ()
    "tpu.region"() ({
      %run_scoped3A = tpu.sem_alloc : memref<!tpu.dma_semaphore, #tpu.memory_space<semaphore_mem>>
      %dma_start3A_13 = tpu.memref_slice %arg4[%mul3A_2] : memref<2048xi32, #tpu.memory_space<hbm>> -> memref<64xi32, #tpu.memory_space<hbm>>
      %dma_start3A_14 = tpu.memref_slice %arg4[%mul3A_2] : memref<2048xi32, #tpu.memory_space<hbm>> -> memref<64xi32, #tpu.memory_space<hbm>>
      tpu.enqueue_dma source(%dma_start3A_14 : memref<64xi32, #tpu.memory_space<hbm>>) target(%arg8 : memref<64xi32, #tpu.memory_space<vmem>>) target_semaphore(%run_scoped3A : memref<!tpu.dma_semaphore, #tpu.memory_space<semaphore_mem>>)
      %dma_wait3A_15 = tpu.memref_slice %arg4[%mul3A_2] : memref<2048xi32, #tpu.memory_space<hbm>> -> memref<64xi32, #tpu.memory_space<hbm>>
      %dma_wait3A_16 = tpu.memref_slice %arg4[%mul3A_2] : memref<2048xi32, #tpu.memory_space<hbm>> -> memref<64xi32, #tpu.memory_space<hbm>>
      tpu.wait_dma2 semaphore(%run_scoped3A : memref<!tpu.dma_semaphore, #tpu.memory_space<semaphore_mem>>) src(%dma_wait3A_16 : memref<64xi32, #tpu.memory_space<hbm>>) dst(%arg8 : memref<64xi32, #tpu.memory_space<vmem>>)
      tpu.yield
    }) : () -> ()
    %dma_start3A = arith.constant 0 : i32
    %dma_start3A_3 = arith.constant 0 : i32
    %dma_start3A_4 = tpu.memref_slice %arg5[%dma_start3A, %dma_start3A_3] : memref<8960x1024xf32, #tpu.memory_space<hbm>> -> memref<8960x1024xf32, #tpu.memory_space<hbm>>
    tpu.enqueue_indirect_dma source(%arg6 : memref<64x1024xf32, #tpu.memory_space<vmem>>) target(%dma_start3A_4 : memref<8960x1024xf32, #tpu.memory_space<hbm>>) offsets(%arg7 : memref<64xi32, #tpu.memory_space<vmem>>) semaphore(%arg9 : memref<!tpu.dma_semaphore, #tpu.memory_space<semaphore_mem>>)
    %dma_start3A_5 = arith.constant 0 : i32
    %dma_start3A_6 = arith.constant 0 : i32
    %dma_start3A_7 = tpu.memref_slice %arg5[%dma_start3A_5, %dma_start3A_6] : memref<8960x1024xf32, #tpu.memory_space<hbm>> -> memref<8960x1024xf32, #tpu.memory_space<hbm>>
    tpu.enqueue_indirect_dma source(%arg6 : memref<64x1024xf32, #tpu.memory_space<vmem>>) target(%dma_start3A_7 : memref<8960x1024xf32, #tpu.memory_space<hbm>>) offsets(%arg8 : memref<64xi32, #tpu.memory_space<vmem>>) semaphore(%arg9 : memref<!tpu.dma_semaphore, #tpu.memory_space<semaphore_mem>>)
    %dma_wait3A = arith.constant 0 : i32
    %dma_wait3A_8 = arith.constant 0 : i32
    %dma_wait3A_9 = tpu.memref_slice %arg5[%dma_wait3A, %dma_wait3A_8] : memref<8960x1024xf32, #tpu.memory_space<hbm>> -> memref<8960x1024xf32, #tpu.memory_space<hbm>>
    tpu.wait_indirect_dma semaphore(%arg9 : memref<!tpu.dma_semaphore, #tpu.memory_space<semaphore_mem>>) src(%arg6 : memref<64x1024xf32, #tpu.memory_space<vmem>>) dst(%dma_wait3A_9 : memref<8960x1024xf32, #tpu.memory_space<hbm>>)
    %dma_wait3A_10 = arith.constant 0 : i32
    %dma_wait3A_11 = arith.constant 0 : i32
    %dma_wait3A_12 = tpu.memref_slice %arg5[%dma_wait3A_10, %dma_wait3A_11] : memref<8960x1024xf32, #tpu.memory_space<hbm>> -> memref<8960x1024xf32, #tpu.memory_space<hbm>>
    tpu.wait_indirect_dma semaphore(%arg9 : memref<!tpu.dma_semaphore, #tpu.memory_space<semaphore_mem>>) src(%arg6 : memref<64x1024xf32, #tpu.memory_space<vmem>>) dst(%dma_wait3A_12 : memref<8960x1024xf32, #tpu.memory_space<hbm>>)
    return
  }
}

#map = affine_map<(d0, d1) -> (0, 0)>
#map1 = affine_map<(d0, d1) -> (0)>
module attributes {stable_mosaic.version = 14 : i64} {
  func.func @_combine_body(%arg0: i32, %arg1: i32, %arg2: memref<8960x1024xf32, #tpu.memory_space<hbm>>, %arg3: memref<2048xi32, #tpu.memory_space<hbm>>, %arg4: memref<2048xi32, #tpu.memory_space<hbm>>, %arg5: memref<2048x16xf32, #tpu.memory_space<hbm>>, %arg6: memref<2048x16xf32, #tpu.memory_space<hbm>>, %arg7: memref<2048x1024xf32, #tpu.memory_space<hbm>>, %arg8: memref<32x1024xf32, #tpu.memory_space<vmem>>, %arg9: memref<32x1024xf32, #tpu.memory_space<vmem>>, %arg10: memref<32x1024xf32, #tpu.memory_space<vmem>>, %arg11: memref<32xi32, #tpu.memory_space<vmem>>, %arg12: memref<32xi32, #tpu.memory_space<vmem>>, %arg13: memref<32x16xf32, #tpu.memory_space<vmem>>, %arg14: memref<32x16xf32, #tpu.memory_space<vmem>>, %arg15: memref<!tpu.dma_semaphore, #tpu.memory_space<semaphore_mem>>) attributes {dimension_semantics = [#tpu.dimension_semantics<core_parallel>, #tpu.dimension_semantics<subcore_parallel>], iteration_bounds = array<i64: 2, 16>, scalar_prefetch = 0 : i64, scratch_operands = 8 : i64, tpu.core_type = #tpu.core_type<sc_vector_subcore>, window_params = [{transform_indices = #map}, {transform_indices = #map1}, {transform_indices = #map1}, {transform_indices = #map}, {transform_indices = #map}, {transform_indices = #map}]} {
    %mul3A = arith.constant 2 : i32
    %mul3A_0 = arith.muli %arg1, %mul3A : i32
    %add3A = arith.addi %mul3A_0, %arg0 : i32
    %mul3A_1 = arith.constant 64 : i32
    %mul3A_2 = arith.muli %add3A, %mul3A_1 : i32
    %add3A_3 = arith.constant 0 : i32
    %add3A_4 = arith.addi %mul3A_2, %add3A_3 : i32
    "tpu.region"() ({
      %run_scoped3A = tpu.sem_alloc : memref<!tpu.dma_semaphore, #tpu.memory_space<semaphore_mem>>
      %dma_start3A_44 = tpu.memref_slice %arg3[%add3A_4] : memref<2048xi32, #tpu.memory_space<hbm>> -> memref<32xi32, #tpu.memory_space<hbm>>
      %dma_start3A_45 = tpu.memref_slice %arg3[%add3A_4] : memref<2048xi32, #tpu.memory_space<hbm>> -> memref<32xi32, #tpu.memory_space<hbm>>
      tpu.enqueue_dma source(%dma_start3A_45 : memref<32xi32, #tpu.memory_space<hbm>>) target(%arg11 : memref<32xi32, #tpu.memory_space<vmem>>) target_semaphore(%run_scoped3A : memref<!tpu.dma_semaphore, #tpu.memory_space<semaphore_mem>>)
      %dma_wait3A_46 = tpu.memref_slice %arg3[%add3A_4] : memref<2048xi32, #tpu.memory_space<hbm>> -> memref<32xi32, #tpu.memory_space<hbm>>
      %dma_wait3A_47 = tpu.memref_slice %arg3[%add3A_4] : memref<2048xi32, #tpu.memory_space<hbm>> -> memref<32xi32, #tpu.memory_space<hbm>>
      tpu.wait_dma2 semaphore(%run_scoped3A : memref<!tpu.dma_semaphore, #tpu.memory_space<semaphore_mem>>) src(%dma_wait3A_47 : memref<32xi32, #tpu.memory_space<hbm>>) dst(%arg11 : memref<32xi32, #tpu.memory_space<vmem>>)
      tpu.yield
    }) : () -> ()
    "tpu.region"() ({
      %run_scoped3A = tpu.sem_alloc : memref<!tpu.dma_semaphore, #tpu.memory_space<semaphore_mem>>
      %dma_start3A_44 = tpu.memref_slice %arg4[%add3A_4] : memref<2048xi32, #tpu.memory_space<hbm>> -> memref<32xi32, #tpu.memory_space<hbm>>
      %dma_start3A_45 = tpu.memref_slice %arg4[%add3A_4] : memref<2048xi32, #tpu.memory_space<hbm>> -> memref<32xi32, #tpu.memory_space<hbm>>
      tpu.enqueue_dma source(%dma_start3A_45 : memref<32xi32, #tpu.memory_space<hbm>>) target(%arg12 : memref<32xi32, #tpu.memory_space<vmem>>) target_semaphore(%run_scoped3A : memref<!tpu.dma_semaphore, #tpu.memory_space<semaphore_mem>>)
      %dma_wait3A_46 = tpu.memref_slice %arg4[%add3A_4] : memref<2048xi32, #tpu.memory_space<hbm>> -> memref<32xi32, #tpu.memory_space<hbm>>
      %dma_wait3A_47 = tpu.memref_slice %arg4[%add3A_4] : memref<2048xi32, #tpu.memory_space<hbm>> -> memref<32xi32, #tpu.memory_space<hbm>>
      tpu.wait_dma2 semaphore(%run_scoped3A : memref<!tpu.dma_semaphore, #tpu.memory_space<semaphore_mem>>) src(%dma_wait3A_47 : memref<32xi32, #tpu.memory_space<hbm>>) dst(%arg12 : memref<32xi32, #tpu.memory_space<vmem>>)
      tpu.yield
    }) : () -> ()
    "tpu.region"() ({
      %run_scoped3A = tpu.sem_alloc : memref<!tpu.dma_semaphore, #tpu.memory_space<semaphore_mem>>
      %dma_start3A_44 = arith.constant 0 : i32
      %dma_start3A_45 = tpu.memref_slice %arg5[%add3A_4, %dma_start3A_44] : memref<2048x16xf32, #tpu.memory_space<hbm>> -> memref<32x16xf32, #tpu.memory_space<hbm>>
      %dma_start3A_46 = arith.constant 0 : i32
      %dma_start3A_47 = tpu.memref_slice %arg5[%add3A_4, %dma_start3A_46] : memref<2048x16xf32, #tpu.memory_space<hbm>> -> memref<32x16xf32, #tpu.memory_space<hbm>>
      tpu.enqueue_dma source(%dma_start3A_47 : memref<32x16xf32, #tpu.memory_space<hbm>>) target(%arg13 : memref<32x16xf32, #tpu.memory_space<vmem>>) target_semaphore(%run_scoped3A : memref<!tpu.dma_semaphore, #tpu.memory_space<semaphore_mem>>)
      %dma_wait3A_48 = arith.constant 0 : i32
      %dma_wait3A_49 = tpu.memref_slice %arg5[%add3A_4, %dma_wait3A_48] : memref<2048x16xf32, #tpu.memory_space<hbm>> -> memref<32x16xf32, #tpu.memory_space<hbm>>
      %dma_wait3A_50 = arith.constant 0 : i32
      %dma_wait3A_51 = tpu.memref_slice %arg5[%add3A_4, %dma_wait3A_50] : memref<2048x16xf32, #tpu.memory_space<hbm>> -> memref<32x16xf32, #tpu.memory_space<hbm>>
      tpu.wait_dma2 semaphore(%run_scoped3A : memref<!tpu.dma_semaphore, #tpu.memory_space<semaphore_mem>>) src(%dma_wait3A_51 : memref<32x16xf32, #tpu.memory_space<hbm>>) dst(%arg13 : memref<32x16xf32, #tpu.memory_space<vmem>>)
      tpu.yield
    }) : () -> ()
    "tpu.region"() ({
      %run_scoped3A = tpu.sem_alloc : memref<!tpu.dma_semaphore, #tpu.memory_space<semaphore_mem>>
      %dma_start3A_44 = arith.constant 0 : i32
      %dma_start3A_45 = tpu.memref_slice %arg6[%add3A_4, %dma_start3A_44] : memref<2048x16xf32, #tpu.memory_space<hbm>> -> memref<32x16xf32, #tpu.memory_space<hbm>>
      %dma_start3A_46 = arith.constant 0 : i32
      %dma_start3A_47 = tpu.memref_slice %arg6[%add3A_4, %dma_start3A_46] : memref<2048x16xf32, #tpu.memory_space<hbm>> -> memref<32x16xf32, #tpu.memory_space<hbm>>
      tpu.enqueue_dma source(%dma_start3A_47 : memref<32x16xf32, #tpu.memory_space<hbm>>) target(%arg14 : memref<32x16xf32, #tpu.memory_space<vmem>>) target_semaphore(%run_scoped3A : memref<!tpu.dma_semaphore, #tpu.memory_space<semaphore_mem>>)
      %dma_wait3A_48 = arith.constant 0 : i32
      %dma_wait3A_49 = tpu.memref_slice %arg6[%add3A_4, %dma_wait3A_48] : memref<2048x16xf32, #tpu.memory_space<hbm>> -> memref<32x16xf32, #tpu.memory_space<hbm>>
      %dma_wait3A_50 = arith.constant 0 : i32
      %dma_wait3A_51 = tpu.memref_slice %arg6[%add3A_4, %dma_wait3A_50] : memref<2048x16xf32, #tpu.memory_space<hbm>> -> memref<32x16xf32, #tpu.memory_space<hbm>>
      tpu.wait_dma2 semaphore(%run_scoped3A : memref<!tpu.dma_semaphore, #tpu.memory_space<semaphore_mem>>) src(%dma_wait3A_51 : memref<32x16xf32, #tpu.memory_space<hbm>>) dst(%arg14 : memref<32x16xf32, #tpu.memory_space<vmem>>)
      tpu.yield
    }) : () -> ()
    %dma_start3A = arith.constant 0 : i32
    %dma_start3A_5 = arith.constant 0 : i32
    %dma_start3A_6 = tpu.memref_slice %arg2[%dma_start3A, %dma_start3A_5] : memref<8960x1024xf32, #tpu.memory_space<hbm>> -> memref<8960x1024xf32, #tpu.memory_space<hbm>>
    tpu.enqueue_indirect_dma source(%dma_start3A_6 : memref<8960x1024xf32, #tpu.memory_space<hbm>>) target(%arg8 : memref<32x1024xf32, #tpu.memory_space<vmem>>) offsets(%arg11 : memref<32xi32, #tpu.memory_space<vmem>>) semaphore(%arg15 : memref<!tpu.dma_semaphore, #tpu.memory_space<semaphore_mem>>)
    %dma_start3A_7 = arith.constant 0 : i32
    %dma_start3A_8 = arith.constant 0 : i32
    %dma_start3A_9 = tpu.memref_slice %arg2[%dma_start3A_7, %dma_start3A_8] : memref<8960x1024xf32, #tpu.memory_space<hbm>> -> memref<8960x1024xf32, #tpu.memory_space<hbm>>
    tpu.enqueue_indirect_dma source(%dma_start3A_9 : memref<8960x1024xf32, #tpu.memory_space<hbm>>) target(%arg9 : memref<32x1024xf32, #tpu.memory_space<vmem>>) offsets(%arg12 : memref<32xi32, #tpu.memory_space<vmem>>) semaphore(%arg15 : memref<!tpu.dma_semaphore, #tpu.memory_space<semaphore_mem>>)
    %dma_wait3A = arith.constant 0 : i32
    %dma_wait3A_10 = arith.constant 0 : i32
    %dma_wait3A_11 = tpu.memref_slice %arg2[%dma_wait3A, %dma_wait3A_10] : memref<8960x1024xf32, #tpu.memory_space<hbm>> -> memref<8960x1024xf32, #tpu.memory_space<hbm>>
    tpu.wait_indirect_dma semaphore(%arg15 : memref<!tpu.dma_semaphore, #tpu.memory_space<semaphore_mem>>) src(%dma_wait3A_11 : memref<8960x1024xf32, #tpu.memory_space<hbm>>) dst(%arg8 : memref<32x1024xf32, #tpu.memory_space<vmem>>)
    %dma_wait3A_12 = arith.constant 0 : i32
    %dma_wait3A_13 = arith.constant 0 : i32
    %dma_wait3A_14 = tpu.memref_slice %arg2[%dma_wait3A_12, %dma_wait3A_13] : memref<8960x1024xf32, #tpu.memory_space<hbm>> -> memref<8960x1024xf32, #tpu.memory_space<hbm>>
    tpu.wait_indirect_dma semaphore(%arg15 : memref<!tpu.dma_semaphore, #tpu.memory_space<semaphore_mem>>) src(%dma_wait3A_14 : memref<8960x1024xf32, #tpu.memory_space<hbm>>) dst(%arg9 : memref<32x1024xf32, #tpu.memory_space<vmem>>)
    %scan3A = arith.constant 0 : i32
    %scan3A_15 = arith.constant 0 : i32
    %scan3A_16 = arith.constant 32 : i32
    %scan3A_17 = arith.addi %scan3A_15, %scan3A_16 : i32
    %scan3A_18 = arith.constant 1 : i32
    %scan3A_19 = scf.for %scan3A_44 = %scan3A_15 to %scan3A_17 step %scan3A_18 iter_args(%scan3A_45 = %scan3A) -> (i32)  : i32 {
      %get3A = arith.index_cast %scan3A_44 : i32 to index
      %get3A_46 = arith.constant 0 : index
      %get3A_47 = tpu.vector_load %arg13[%get3A, %get3A_46] {strides = array<i32>} : memref<32x16xf32, #tpu.memory_space<vmem>>, vector<1x16xf32>,
      %get3A_48 = vector.shape_cast %get3A_47 : vector<1x16xf32> to vector<16xf32>
      %get3A_49 = arith.index_cast %scan3A_44 : i32 to index
      %get3A_50 = arith.constant 0 : index
      %get3A_51 = tpu.vector_load %arg14[%get3A_49, %get3A_50] {strides = array<i32>} : memref<32x16xf32, #tpu.memory_space<vmem>>, vector<1x16xf32>,
      %get3A_52 = vector.shape_cast %get3A_51 : vector<1x16xf32> to vector<16xf32>
      %scan3A_53 = arith.constant 0 : i32
      %scan3A_54 = arith.constant 0 : i32
      %scan3A_55 = arith.constant 64 : i32
      %scan3A_56 = arith.addi %scan3A_54, %scan3A_55 : i32
      %scan3A_57 = arith.constant 4 : i32
      %scan3A_58 = scf.for %scan3A_61 = %scan3A_54 to %scan3A_56 step %scan3A_57 iter_args(%scan3A_62 = %scan3A_53) -> (i32)  : i32 {
        %mul3A_63 = arith.constant 16 : i32
        %mul3A_64 = arith.muli %scan3A_61, %mul3A_63 : i32
        %get3A_65 = arith.index_cast %scan3A_44 : i32 to index
        %get3A_66 = arith.index_cast %mul3A_64 : i32 to index
        %get3A_67 = tpu.vector_load %arg8[%get3A_65, %get3A_66] {strides = array<i32>} : memref<32x1024xf32, #tpu.memory_space<vmem>>, vector<1x16xf32>,
        %get3A_68 = vector.shape_cast %get3A_67 : vector<1x16xf32> to vector<16xf32>
        %mul3A_69 = arith.mulf %get3A_48, %get3A_68 : vector<16xf32>
        %get3A_70 = arith.index_cast %scan3A_44 : i32 to index
        %get3A_71 = arith.index_cast %mul3A_64 : i32 to index
        %get3A_72 = tpu.vector_load %arg9[%get3A_70, %get3A_71] {strides = array<i32>} : memref<32x1024xf32, #tpu.memory_space<vmem>>, vector<1x16xf32>,
        %get3A_73 = vector.shape_cast %get3A_72 : vector<1x16xf32> to vector<16xf32>
        %mul3A_74 = arith.mulf %get3A_52, %get3A_73 : vector<16xf32>
        %add3A_75 = arith.addf %mul3A_69, %mul3A_74 : vector<16xf32>
        %swap3A = arith.index_cast %scan3A_44 : i32 to index
        %swap3A_76 = arith.index_cast %mul3A_64 : i32 to index
        %swap3A_77 = tpu.vector_load %arg10[%swap3A, %swap3A_76] {strides = array<i32>} : memref<32x1024xf32, #tpu.memory_space<vmem>>, vector<1x16xf32>,
        %swap3A_78 = vector.shape_cast %swap3A_77 : vector<1x16xf32> to vector<16xf32>
        %swap3A_79 = vector.shape_cast %add3A_75 : vector<16xf32> to vector<1x16xf32>
        tpu.vector_store %arg10[%swap3A, %swap3A_76], %swap3A_79 {strides = array<i32>} : memref<32x1024xf32, #tpu.memory_space<vmem>>, vector<1x16xf32>,
        %scan3A_80 = arith.constant 0 : i32
        %scan3A_81 = arith.constant 1 : i32
        %scan3A_82 = arith.addi %scan3A_61, %scan3A_81 : i32
        %mul3A_83 = arith.constant 16 : i32
        %mul3A_84 = arith.muli %scan3A_82, %mul3A_83 : i32
        %get3A_85 = arith.index_cast %scan3A_44 : i32 to index
        %get3A_86 = arith.index_cast %mul3A_84 : i32 to index
        %get3A_87 = tpu.vector_load %arg8[%get3A_85, %get3A_86] {strides = array<i32>} : memref<32x1024xf32, #tpu.memory_space<vmem>>, vector<1x16xf32>,
        %get3A_88 = vector.shape_cast %get3A_87 : vector<1x16xf32> to vector<16xf32>
        %mul3A_89 = arith.mulf %get3A_48, %get3A_88 : vector<16xf32>
        %get3A_90 = arith.index_cast %scan3A_44 : i32 to index
        %get3A_91 = arith.index_cast %mul3A_84 : i32 to index
        %get3A_92 = tpu.vector_load %arg9[%get3A_90, %get3A_91] {strides = array<i32>} : memref<32x1024xf32, #tpu.memory_space<vmem>>, vector<1x16xf32>,
        %get3A_93 = vector.shape_cast %get3A_92 : vector<1x16xf32> to vector<16xf32>
        %mul3A_94 = arith.mulf %get3A_52, %get3A_93 : vector<16xf32>
        %add3A_95 = arith.addf %mul3A_89, %mul3A_94 : vector<16xf32>
        %swap3A_96 = arith.index_cast %scan3A_44 : i32 to index
        %swap3A_97 = arith.index_cast %mul3A_84 : i32 to index
        %swap3A_98 = tpu.vector_load %arg10[%swap3A_96, %swap3A_97] {strides = array<i32>} : memref<32x1024xf32, #tpu.memory_space<vmem>>, vector<1x16xf32>,
        %swap3A_99 = vector.shape_cast %swap3A_98 : vector<1x16xf32> to vector<16xf32>
        %swap3A_100 = vector.shape_cast %add3A_95 : vector<16xf32> to vector<1x16xf32>
        tpu.vector_store %arg10[%swap3A_96, %swap3A_97], %swap3A_100 {strides = array<i32>} : memref<32x1024xf32, #tpu.memory_space<vmem>>, vector<1x16xf32>,
        %scan3A_101 = arith.constant 0 : i32
        %scan3A_102 = arith.constant 2 : i32
        %scan3A_103 = arith.addi %scan3A_61, %scan3A_102 : i32
        %mul3A_104 = arith.constant 16 : i32
        %mul3A_105 = arith.muli %scan3A_103, %mul3A_104 : i32
        %get3A_106 = arith.index_cast %scan3A_44 : i32 to index
        %get3A_107 = arith.index_cast %mul3A_105 : i32 to index
        %get3A_108 = tpu.vector_load %arg8[%get3A_106, %get3A_107] {strides = array<i32>} : memref<32x1024xf32, #tpu.memory_space<vmem>>, vector<1x16xf32>,
        %get3A_109 = vector.shape_cast %get3A_108 : vector<1x16xf32> to vector<16xf32>
        %mul3A_110 = arith.mulf %get3A_48, %get3A_109 : vector<16xf32>
        %get3A_111 = arith.index_cast %scan3A_44 : i32 to index
        %get3A_112 = arith.index_cast %mul3A_105 : i32 to index
        %get3A_113 = tpu.vector_load %arg9[%get3A_111, %get3A_112] {strides = array<i32>} : memref<32x1024xf32, #tpu.memory_space<vmem>>, vector<1x16xf32>,
        %get3A_114 = vector.shape_cast %get3A_113 : vector<1x16xf32> to vector<16xf32>
        %mul3A_115 = arith.mulf %get3A_52, %get3A_114 : vector<16xf32>
        %add3A_116 = arith.addf %mul3A_110, %mul3A_115 : vector<16xf32>
        %swap3A_117 = arith.index_cast %scan3A_44 : i32 to index
        %swap3A_118 = arith.index_cast %mul3A_105 : i32 to index
        %swap3A_119 = tpu.vector_load %arg10[%swap3A_117, %swap3A_118] {strides = array<i32>} : memref<32x1024xf32, #tpu.memory_space<vmem>>, vector<1x16xf32>,
        %swap3A_120 = vector.shape_cast %swap3A_119 : vector<1x16xf32> to vector<16xf32>
        %swap3A_121 = vector.shape_cast %add3A_116 : vector<16xf32> to vector<1x16xf32>
        tpu.vector_store %arg10[%swap3A_117, %swap3A_118], %swap3A_121 {strides = array<i32>} : memref<32x1024xf32, #tpu.memory_space<vmem>>, vector<1x16xf32>,
        %scan3A_122 = arith.constant 0 : i32
        %scan3A_123 = arith.constant 3 : i32
        %scan3A_124 = arith.addi %scan3A_61, %scan3A_123 : i32
        %mul3A_125 = arith.constant 16 : i32
        %mul3A_126 = arith.muli %scan3A_124, %mul3A_125 : i32
        %get3A_127 = arith.index_cast %scan3A_44 : i32 to index
        %get3A_128 = arith.index_cast %mul3A_126 : i32 to index
        %get3A_129 = tpu.vector_load %arg8[%get3A_127, %get3A_128] {strides = array<i32>} : memref<32x1024xf32, #tpu.memory_space<vmem>>, vector<1x16xf32>,
        %get3A_130 = vector.shape_cast %get3A_129 : vector<1x16xf32> to vector<16xf32>
        %mul3A_131 = arith.mulf %get3A_48, %get3A_130 : vector<16xf32>
        %get3A_132 = arith.index_cast %scan3A_44 : i32 to index
        %get3A_133 = arith.index_cast %mul3A_126 : i32 to index
        %get3A_134 = tpu.vector_load %arg9[%get3A_132, %get3A_133] {strides = array<i32>} : memref<32x1024xf32, #tpu.memory_space<vmem>>, vector<1x16xf32>,
        %get3A_135 = vector.shape_cast %get3A_134 : vector<1x16xf32> to vector<16xf32>
        %mul3A_136 = arith.mulf %get3A_52, %get3A_135 : vector<16xf32>
        %add3A_137 = arith.addf %mul3A_131, %mul3A_136 : vector<16xf32>
        %swap3A_138 = arith.index_cast %scan3A_44 : i32 to index
        %swap3A_139 = arith.index_cast %mul3A_126 : i32 to index
        %swap3A_140 = tpu.vector_load %arg10[%swap3A_138, %swap3A_139] {strides = array<i32>} : memref<32x1024xf32, #tpu.memory_space<vmem>>, vector<1x16xf32>,
        %swap3A_141 = vector.shape_cast %swap3A_140 : vector<1x16xf32> to vector<16xf32>
        %swap3A_142 = vector.shape_cast %add3A_137 : vector<16xf32> to vector<1x16xf32>
        tpu.vector_store %arg10[%swap3A_138, %swap3A_139], %swap3A_142 {strides = array<i32>} : memref<32x1024xf32, #tpu.memory_space<vmem>>, vector<1x16xf32>,
        %scan3A_143 = arith.constant 0 : i32
        scf.yield %scan3A_143 : i32
      }
      %scan3A_59 = arith.constant 64 : i32
      %scan3A_60 = arith.constant 0 : i32
      scf.yield %scan3A_60 : i32
    }
    %scan3A_20 = arith.constant 32 : i32
    "tpu.region"() ({
      %run_scoped3A = tpu.sem_alloc : memref<!tpu.dma_semaphore, #tpu.memory_space<semaphore_mem>>
      %dma_start3A_44 = arith.constant 0 : i32
      %dma_start3A_45 = tpu.memref_slice %arg7[%add3A_4, %dma_start3A_44] : memref<2048x1024xf32, #tpu.memory_space<hbm>> -> memref<32x1024xf32, #tpu.memory_space<hbm>>
      %dma_start3A_46 = arith.constant 0 : i32
      %dma_start3A_47 = tpu.memref_slice %arg7[%add3A_4, %dma_start3A_46] : memref<2048x1024xf32, #tpu.memory_space<hbm>> -> memref<32x1024xf32, #tpu.memory_space<hbm>>
      tpu.enqueue_dma source(%arg10 : memref<32x1024xf32, #tpu.memory_space<vmem>>) target(%dma_start3A_47 : memref<32x1024xf32, #tpu.memory_space<hbm>>) target_semaphore(%run_scoped3A : memref<!tpu.dma_semaphore, #tpu.memory_space<semaphore_mem>>)
      %dma_wait3A_48 = arith.constant 0 : i32
      %dma_wait3A_49 = tpu.memref_slice %arg7[%add3A_4, %dma_wait3A_48] : memref<2048x1024xf32, #tpu.memory_space<hbm>> -> memref<32x1024xf32, #tpu.memory_space<hbm>>
      %dma_wait3A_50 = arith.constant 0 : i32
      %dma_wait3A_51 = tpu.memref_slice %arg7[%add3A_4, %dma_wait3A_50] : memref<2048x1024xf32, #tpu.memory_space<hbm>> -> memref<32x1024xf32, #tpu.memory_space<hbm>>
      tpu.wait_dma2 semaphore(%run_scoped3A : memref<!tpu.dma_semaphore, #tpu.memory_space<semaphore_mem>>) src(%arg10 : memref<32x1024xf32, #tpu.memory_space<vmem>>) dst(%dma_wait3A_51 : memref<32x1024xf32, #tpu.memory_space<hbm>>)
      tpu.yield
    }) : () -> ()
    %mul3A_21 = arith.constant 64 : i32
    %mul3A_22 = arith.muli %add3A, %mul3A_21 : i32
    %add3A_23 = arith.constant 32 : i32
    %add3A_24 = arith.addi %mul3A_22, %add3A_23 : i32
    "tpu.region"() ({
      %run_scoped3A = tpu.sem_alloc : memref<!tpu.dma_semaphore, #tpu.memory_space<semaphore_mem>>
      %dma_start3A_44 = tpu.memref_slice %arg3[%add3A_24] : memref<2048xi32, #tpu.memory_space<hbm>> -> memref<32xi32, #tpu.memory_space<hbm>>
      %dma_start3A_45 = tpu.memref_slice %arg3[%add3A_24] : memref<2048xi32, #tpu.memory_space<hbm>> -> memref<32xi32, #tpu.memory_space<hbm>>
      tpu.enqueue_dma source(%dma_start3A_45 : memref<32xi32, #tpu.memory_space<hbm>>) target(%arg11 : memref<32xi32, #tpu.memory_space<vmem>>) target_semaphore(%run_scoped3A : memref<!tpu.dma_semaphore, #tpu.memory_space<semaphore_mem>>)
      %dma_wait3A_46 = tpu.memref_slice %arg3[%add3A_24] : memref<2048xi32, #tpu.memory_space<hbm>> -> memref<32xi32, #tpu.memory_space<hbm>>
      %dma_wait3A_47 = tpu.memref_slice %arg3[%add3A_24] : memref<2048xi32, #tpu.memory_space<hbm>> -> memref<32xi32, #tpu.memory_space<hbm>>
      tpu.wait_dma2 semaphore(%run_scoped3A : memref<!tpu.dma_semaphore, #tpu.memory_space<semaphore_mem>>) src(%dma_wait3A_47 : memref<32xi32, #tpu.memory_space<hbm>>) dst(%arg11 : memref<32xi32, #tpu.memory_space<vmem>>)
      tpu.yield
    }) : () -> ()
    "tpu.region"() ({
      %run_scoped3A = tpu.sem_alloc : memref<!tpu.dma_semaphore, #tpu.memory_space<semaphore_mem>>
      %dma_start3A_44 = tpu.memref_slice %arg4[%add3A_24] : memref<2048xi32, #tpu.memory_space<hbm>> -> memref<32xi32, #tpu.memory_space<hbm>>
      %dma_start3A_45 = tpu.memref_slice %arg4[%add3A_24] : memref<2048xi32, #tpu.memory_space<hbm>> -> memref<32xi32, #tpu.memory_space<hbm>>
      tpu.enqueue_dma source(%dma_start3A_45 : memref<32xi32, #tpu.memory_space<hbm>>) target(%arg12 : memref<32xi32, #tpu.memory_space<vmem>>) target_semaphore(%run_scoped3A : memref<!tpu.dma_semaphore, #tpu.memory_space<semaphore_mem>>)
      %dma_wait3A_46 = tpu.memref_slice %arg4[%add3A_24] : memref<2048xi32, #tpu.memory_space<hbm>> -> memref<32xi32, #tpu.memory_space<hbm>>
      %dma_wait3A_47 = tpu.memref_slice %arg4[%add3A_24] : memref<2048xi32, #tpu.memory_space<hbm>> -> memref<32xi32, #tpu.memory_space<hbm>>
      tpu.wait_dma2 semaphore(%run_scoped3A : memref<!tpu.dma_semaphore, #tpu.memory_space<semaphore_mem>>) src(%dma_wait3A_47 : memref<32xi32, #tpu.memory_space<hbm>>) dst(%arg12 : memref<32xi32, #tpu.memory_space<vmem>>)
      tpu.yield
    }) : () -> ()
    "tpu.region"() ({
      %run_scoped3A = tpu.sem_alloc : memref<!tpu.dma_semaphore, #tpu.memory_space<semaphore_mem>>
      %dma_start3A_44 = arith.constant 0 : i32
      %dma_start3A_45 = tpu.memref_slice %arg5[%add3A_24, %dma_start3A_44] : memref<2048x16xf32, #tpu.memory_space<hbm>> -> memref<32x16xf32, #tpu.memory_space<hbm>>
      %dma_start3A_46 = arith.constant 0 : i32
      %dma_start3A_47 = tpu.memref_slice %arg5[%add3A_24, %dma_start3A_46] : memref<2048x16xf32, #tpu.memory_space<hbm>> -> memref<32x16xf32, #tpu.memory_space<hbm>>
      tpu.enqueue_dma source(%dma_start3A_47 : memref<32x16xf32, #tpu.memory_space<hbm>>) target(%arg13 : memref<32x16xf32, #tpu.memory_space<vmem>>) target_semaphore(%run_scoped3A : memref<!tpu.dma_semaphore, #tpu.memory_space<semaphore_mem>>)
      %dma_wait3A_48 = arith.constant 0 : i32
      %dma_wait3A_49 = tpu.memref_slice %arg5[%add3A_24, %dma_wait3A_48] : memref<2048x16xf32, #tpu.memory_space<hbm>> -> memref<32x16xf32, #tpu.memory_space<hbm>>
      %dma_wait3A_50 = arith.constant 0 : i32
      %dma_wait3A_51 = tpu.memref_slice %arg5[%add3A_24, %dma_wait3A_50] : memref<2048x16xf32, #tpu.memory_space<hbm>> -> memref<32x16xf32, #tpu.memory_space<hbm>>
      tpu.wait_dma2 semaphore(%run_scoped3A : memref<!tpu.dma_semaphore, #tpu.memory_space<semaphore_mem>>) src(%dma_wait3A_51 : memref<32x16xf32, #tpu.memory_space<hbm>>) dst(%arg13 : memref<32x16xf32, #tpu.memory_space<vmem>>)
      tpu.yield
    }) : () -> ()
    "tpu.region"() ({
      %run_scoped3A = tpu.sem_alloc : memref<!tpu.dma_semaphore, #tpu.memory_space<semaphore_mem>>
      %dma_start3A_44 = arith.constant 0 : i32
      %dma_start3A_45 = tpu.memref_slice %arg6[%add3A_24, %dma_start3A_44] : memref<2048x16xf32, #tpu.memory_space<hbm>> -> memref<32x16xf32, #tpu.memory_space<hbm>>
      %dma_start3A_46 = arith.constant 0 : i32
      %dma_start3A_47 = tpu.memref_slice %arg6[%add3A_24, %dma_start3A_46] : memref<2048x16xf32, #tpu.memory_space<hbm>> -> memref<32x16xf32, #tpu.memory_space<hbm>>
      tpu.enqueue_dma source(%dma_start3A_47 : memref<32x16xf32, #tpu.memory_space<hbm>>) target(%arg14 : memref<32x16xf32, #tpu.memory_space<vmem>>) target_semaphore(%run_scoped3A : memref<!tpu.dma_semaphore, #tpu.memory_space<semaphore_mem>>)
      %dma_wait3A_48 = arith.constant 0 : i32
      %dma_wait3A_49 = tpu.memref_slice %arg6[%add3A_24, %dma_wait3A_48] : memref<2048x16xf32, #tpu.memory_space<hbm>> -> memref<32x16xf32, #tpu.memory_space<hbm>>
      %dma_wait3A_50 = arith.constant 0 : i32
      %dma_wait3A_51 = tpu.memref_slice %arg6[%add3A_24, %dma_wait3A_50] : memref<2048x16xf32, #tpu.memory_space<hbm>> -> memref<32x16xf32, #tpu.memory_space<hbm>>
      tpu.wait_dma2 semaphore(%run_scoped3A : memref<!tpu.dma_semaphore, #tpu.memory_space<semaphore_mem>>) src(%dma_wait3A_51 : memref<32x16xf32, #tpu.memory_space<hbm>>) dst(%arg14 : memref<32x16xf32, #tpu.memory_space<vmem>>)
      tpu.yield
    }) : () -> ()
    %dma_start3A_25 = arith.constant 0 : i32
    %dma_start3A_26 = arith.constant 0 : i32
    %dma_start3A_27 = tpu.memref_slice %arg2[%dma_start3A_25, %dma_start3A_26] : memref<8960x1024xf32, #tpu.memory_space<hbm>> -> memref<8960x1024xf32, #tpu.memory_space<hbm>>
    tpu.enqueue_indirect_dma source(%dma_start3A_27 : memref<8960x1024xf32, #tpu.memory_space<hbm>>) target(%arg8 : memref<32x1024xf32, #tpu.memory_space<vmem>>) offsets(%arg11 : memref<32xi32, #tpu.memory_space<vmem>>) semaphore(%arg15 : memref<!tpu.dma_semaphore, #tpu.memory_space<semaphore_mem>>)
    %dma_start3A_28 = arith.constant 0 : i32
    %dma_start3A_29 = arith.constant 0 : i32
    %dma_start3A_30 = tpu.memref_slice %arg2[%dma_start3A_28, %dma_start3A_29] : memref<8960x1024xf32, #tpu.memory_space<hbm>> -> memref<8960x1024xf32, #tpu.memory_space<hbm>>
    tpu.enqueue_indirect_dma source(%dma_start3A_30 : memref<8960x1024xf32, #tpu.memory_space<hbm>>) target(%arg9 : memref<32x1024xf32, #tpu.memory_space<vmem>>) offsets(%arg12 : memref<32xi32, #tpu.memory_space<vmem>>) semaphore(%arg15 : memref<!tpu.dma_semaphore, #tpu.memory_space<semaphore_mem>>)
    %dma_wait3A_31 = arith.constant 0 : i32
    %dma_wait3A_32 = arith.constant 0 : i32
    %dma_wait3A_33 = tpu.memref_slice %arg2[%dma_wait3A_31, %dma_wait3A_32] : memref<8960x1024xf32, #tpu.memory_space<hbm>> -> memref<8960x1024xf32, #tpu.memory_space<hbm>>
    tpu.wait_indirect_dma semaphore(%arg15 : memref<!tpu.dma_semaphore, #tpu.memory_space<semaphore_mem>>) src(%dma_wait3A_33 : memref<8960x1024xf32, #tpu.memory_space<hbm>>) dst(%arg8 : memref<32x1024xf32, #tpu.memory_space<vmem>>)
    %dma_wait3A_34 = arith.constant 0 : i32
    %dma_wait3A_35 = arith.constant 0 : i32
    %dma_wait3A_36 = tpu.memref_slice %arg2[%dma_wait3A_34, %dma_wait3A_35] : memref<8960x1024xf32, #tpu.memory_space<hbm>> -> memref<8960x1024xf32, #tpu.memory_space<hbm>>
    tpu.wait_indirect_dma semaphore(%arg15 : memref<!tpu.dma_semaphore, #tpu.memory_space<semaphore_mem>>) src(%dma_wait3A_36 : memref<8960x1024xf32, #tpu.memory_space<hbm>>) dst(%arg9 : memref<32x1024xf32, #tpu.memory_space<vmem>>)
    %scan3A_37 = arith.constant 0 : i32
    %scan3A_38 = arith.constant 0 : i32
    %scan3A_39 = arith.constant 32 : i32
    %scan3A_40 = arith.addi %scan3A_38, %scan3A_39 : i32
    %scan3A_41 = arith.constant 1 : i32
    %scan3A_42 = scf.for %scan3A_44 = %scan3A_38 to %scan3A_40 step %scan3A_41 iter_args(%scan3A_45 = %scan3A_37) -> (i32)  : i32 {
      %get3A = arith.index_cast %scan3A_44 : i32 to index
      %get3A_46 = arith.constant 0 : index
      %get3A_47 = tpu.vector_load %arg13[%get3A, %get3A_46] {strides = array<i32>} : memref<32x16xf32, #tpu.memory_space<vmem>>, vector<1x16xf32>,
      %get3A_48 = vector.shape_cast %get3A_47 : vector<1x16xf32> to vector<16xf32>
      %get3A_49 = arith.index_cast %scan3A_44 : i32 to index
      %get3A_50 = arith.constant 0 : index
      %get3A_51 = tpu.vector_load %arg14[%get3A_49, %get3A_50] {strides = array<i32>} : memref<32x16xf32, #tpu.memory_space<vmem>>, vector<1x16xf32>,
      %get3A_52 = vector.shape_cast %get3A_51 : vector<1x16xf32> to vector<16xf32>
      %scan3A_53 = arith.constant 0 : i32
      %scan3A_54 = arith.constant 0 : i32
      %scan3A_55 = arith.constant 64 : i32
      %scan3A_56 = arith.addi %scan3A_54, %scan3A_55 : i32
      %scan3A_57 = arith.constant 4 : i32
      %scan3A_58 = scf.for %scan3A_61 = %scan3A_54 to %scan3A_56 step %scan3A_57 iter_args(%scan3A_62 = %scan3A_53) -> (i32)  : i32 {
        %mul3A_63 = arith.constant 16 : i32
        %mul3A_64 = arith.muli %scan3A_61, %mul3A_63 : i32
        %get3A_65 = arith.index_cast %scan3A_44 : i32 to index
        %get3A_66 = arith.index_cast %mul3A_64 : i32 to index
        %get3A_67 = tpu.vector_load %arg8[%get3A_65, %get3A_66] {strides = array<i32>} : memref<32x1024xf32, #tpu.memory_space<vmem>>, vector<1x16xf32>,
        %get3A_68 = vector.shape_cast %get3A_67 : vector<1x16xf32> to vector<16xf32>
        %mul3A_69 = arith.mulf %get3A_48, %get3A_68 : vector<16xf32>
        %get3A_70 = arith.index_cast %scan3A_44 : i32 to index
        %get3A_71 = arith.index_cast %mul3A_64 : i32 to index
        %get3A_72 = tpu.vector_load %arg9[%get3A_70, %get3A_71] {strides = array<i32>} : memref<32x1024xf32, #tpu.memory_space<vmem>>, vector<1x16xf32>,
        %get3A_73 = vector.shape_cast %get3A_72 : vector<1x16xf32> to vector<16xf32>
        %mul3A_74 = arith.mulf %get3A_52, %get3A_73 : vector<16xf32>
        %add3A_75 = arith.addf %mul3A_69, %mul3A_74 : vector<16xf32>
        %swap3A = arith.index_cast %scan3A_44 : i32 to index
        %swap3A_76 = arith.index_cast %mul3A_64 : i32 to index
        %swap3A_77 = tpu.vector_load %arg10[%swap3A, %swap3A_76] {strides = array<i32>} : memref<32x1024xf32, #tpu.memory_space<vmem>>, vector<1x16xf32>,
        %swap3A_78 = vector.shape_cast %swap3A_77 : vector<1x16xf32> to vector<16xf32>
        %swap3A_79 = vector.shape_cast %add3A_75 : vector<16xf32> to vector<1x16xf32>
        tpu.vector_store %arg10[%swap3A, %swap3A_76], %swap3A_79 {strides = array<i32>} : memref<32x1024xf32, #tpu.memory_space<vmem>>, vector<1x16xf32>,
        %scan3A_80 = arith.constant 0 : i32
        %scan3A_81 = arith.constant 1 : i32
        %scan3A_82 = arith.addi %scan3A_61, %scan3A_81 : i32
        %mul3A_83 = arith.constant 16 : i32
        %mul3A_84 = arith.muli %scan3A_82, %mul3A_83 : i32
        %get3A_85 = arith.index_cast %scan3A_44 : i32 to index
        %get3A_86 = arith.index_cast %mul3A_84 : i32 to index
        %get3A_87 = tpu.vector_load %arg8[%get3A_85, %get3A_86] {strides = array<i32>} : memref<32x1024xf32, #tpu.memory_space<vmem>>, vector<1x16xf32>,
        %get3A_88 = vector.shape_cast %get3A_87 : vector<1x16xf32> to vector<16xf32>
        %mul3A_89 = arith.mulf %get3A_48, %get3A_88 : vector<16xf32>
        %get3A_90 = arith.index_cast %scan3A_44 : i32 to index
        %get3A_91 = arith.index_cast %mul3A_84 : i32 to index
        %get3A_92 = tpu.vector_load %arg9[%get3A_90, %get3A_91] {strides = array<i32>} : memref<32x1024xf32, #tpu.memory_space<vmem>>, vector<1x16xf32>,
        %get3A_93 = vector.shape_cast %get3A_92 : vector<1x16xf32> to vector<16xf32>
        %mul3A_94 = arith.mulf %get3A_52, %get3A_93 : vector<16xf32>
        %add3A_95 = arith.addf %mul3A_89, %mul3A_94 : vector<16xf32>
        %swap3A_96 = arith.index_cast %scan3A_44 : i32 to index
        %swap3A_97 = arith.index_cast %mul3A_84 : i32 to index
        %swap3A_98 = tpu.vector_load %arg10[%swap3A_96, %swap3A_97] {strides = array<i32>} : memref<32x1024xf32, #tpu.memory_space<vmem>>, vector<1x16xf32>,
        %swap3A_99 = vector.shape_cast %swap3A_98 : vector<1x16xf32> to vector<16xf32>
        %swap3A_100 = vector.shape_cast %add3A_95 : vector<16xf32> to vector<1x16xf32>
        tpu.vector_store %arg10[%swap3A_96, %swap3A_97], %swap3A_100 {strides = array<i32>} : memref<32x1024xf32, #tpu.memory_space<vmem>>, vector<1x16xf32>,
        %scan3A_101 = arith.constant 0 : i32
        %scan3A_102 = arith.constant 2 : i32
        %scan3A_103 = arith.addi %scan3A_61, %scan3A_102 : i32
        %mul3A_104 = arith.constant 16 : i32
        %mul3A_105 = arith.muli %scan3A_103, %mul3A_104 : i32
        %get3A_106 = arith.index_cast %scan3A_44 : i32 to index
        %get3A_107 = arith.index_cast %mul3A_105 : i32 to index
        %get3A_108 = tpu.vector_load %arg8[%get3A_106, %get3A_107] {strides = array<i32>} : memref<32x1024xf32, #tpu.memory_space<vmem>>, vector<1x16xf32>,
        %get3A_109 = vector.shape_cast %get3A_108 : vector<1x16xf32> to vector<16xf32>
        %mul3A_110 = arith.mulf %get3A_48, %get3A_109 : vector<16xf32>
        %get3A_111 = arith.index_cast %scan3A_44 : i32 to index
        %get3A_112 = arith.index_cast %mul3A_105 : i32 to index
        %get3A_113 = tpu.vector_load %arg9[%get3A_111, %get3A_112] {strides = array<i32>} : memref<32x1024xf32, #tpu.memory_space<vmem>>, vector<1x16xf32>,
        %get3A_114 = vector.shape_cast %get3A_113 : vector<1x16xf32> to vector<16xf32>
        %mul3A_115 = arith.mulf %get3A_52, %get3A_114 : vector<16xf32>
        %add3A_116 = arith.addf %mul3A_110, %mul3A_115 : vector<16xf32>
        %swap3A_117 = arith.index_cast %scan3A_44 : i32 to index
        %swap3A_118 = arith.index_cast %mul3A_105 : i32 to index
        %swap3A_119 = tpu.vector_load %arg10[%swap3A_117, %swap3A_118] {strides = array<i32>} : memref<32x1024xf32, #tpu.memory_space<vmem>>, vector<1x16xf32>,
        %swap3A_120 = vector.shape_cast %swap3A_119 : vector<1x16xf32> to vector<16xf32>
        %swap3A_121 = vector.shape_cast %add3A_116 : vector<16xf32> to vector<1x16xf32>
        tpu.vector_store %arg10[%swap3A_117, %swap3A_118], %swap3A_121 {strides = array<i32>} : memref<32x1024xf32, #tpu.memory_space<vmem>>, vector<1x16xf32>,
        %scan3A_122 = arith.constant 0 : i32
        %scan3A_123 = arith.constant 3 : i32
        %scan3A_124 = arith.addi %scan3A_61, %scan3A_123 : i32
        %mul3A_125 = arith.constant 16 : i32
        %mul3A_126 = arith.muli %scan3A_124, %mul3A_125 : i32
        %get3A_127 = arith.index_cast %scan3A_44 : i32 to index
        %get3A_128 = arith.index_cast %mul3A_126 : i32 to index
        %get3A_129 = tpu.vector_load %arg8[%get3A_127, %get3A_128] {strides = array<i32>} : memref<32x1024xf32, #tpu.memory_space<vmem>>, vector<1x16xf32>,
        %get3A_130 = vector.shape_cast %get3A_129 : vector<1x16xf32> to vector<16xf32>
        %mul3A_131 = arith.mulf %get3A_48, %get3A_130 : vector<16xf32>
        %get3A_132 = arith.index_cast %scan3A_44 : i32 to index
        %get3A_133 = arith.index_cast %mul3A_126 : i32 to index
        %get3A_134 = tpu.vector_load %arg9[%get3A_132, %get3A_133] {strides = array<i32>} : memref<32x1024xf32, #tpu.memory_space<vmem>>, vector<1x16xf32>,
        %get3A_135 = vector.shape_cast %get3A_134 : vector<1x16xf32> to vector<16xf32>
        %mul3A_136 = arith.mulf %get3A_52, %get3A_135 : vector<16xf32>
        %add3A_137 = arith.addf %mul3A_131, %mul3A_136 : vector<16xf32>
        %swap3A_138 = arith.index_cast %scan3A_44 : i32 to index
        %swap3A_139 = arith.index_cast %mul3A_126 : i32 to index
        %swap3A_140 = tpu.vector_load %arg10[%swap3A_138, %swap3A_139] {strides = array<i32>} : memref<32x1024xf32, #tpu.memory_space<vmem>>, vector<1x16xf32>,
        %swap3A_141 = vector.shape_cast %swap3A_140 : vector<1x16xf32> to vector<16xf32>
        %swap3A_142 = vector.shape_cast %add3A_137 : vector<16xf32> to vector<1x16xf32>
        tpu.vector_store %arg10[%swap3A_138, %swap3A_139], %swap3A_142 {strides = array<i32>} : memref<32x1024xf32, #tpu.memory_space<vmem>>, vector<1x16xf32>,
        %scan3A_143 = arith.constant 0 : i32
        scf.yield %scan3A_143 : i32
      }
      %scan3A_59 = arith.constant 64 : i32
      %scan3A_60 = arith.constant 0 : i32
      scf.yield %scan3A_60 : i32
    }
    %scan3A_43 = arith.constant 32 : i32
    "tpu.region"() ({
      %run_scoped3A = tpu.sem_alloc : memref<!tpu.dma_semaphore, #tpu.memory_space<semaphore_mem>>
      %dma_start3A_44 = arith.constant 0 : i32
      %dma_start3A_45 = tpu.memref_slice %arg7[%add3A_24, %dma_start3A_44] : memref<2048x1024xf32, #tpu.memory_space<hbm>> -> memref<32x1024xf32, #tpu.memory_space<hbm>>
      %dma_start3A_46 = arith.constant 0 : i32
      %dma_start3A_47 = tpu.memref_slice %arg7[%add3A_24, %dma_start3A_46] : memref<2048x1024xf32, #tpu.memory_space<hbm>> -> memref<32x1024xf32, #tpu.memory_space<hbm>>
      tpu.enqueue_dma source(%arg10 : memref<32x1024xf32, #tpu.memory_space<vmem>>) target(%dma_start3A_47 : memref<32x1024xf32, #tpu.memory_space<hbm>>) target_semaphore(%run_scoped3A : memref<!tpu.dma_semaphore, #tpu.memory_space<semaphore_mem>>)
      %dma_wait3A_48 = arith.constant 0 : i32
      %dma_wait3A_49 = tpu.memref_slice %arg7[%add3A_24, %dma_wait3A_48] : memref<2048x1024xf32, #tpu.memory_space<hbm>> -> memref<32x1024xf32, #tpu.memory_space<hbm>>
      %dma_wait3A_50 = arith.constant 0 : i32
      %dma_wait3A_51 = tpu.memref_slice %arg7[%add3A_24, %dma_wait3A_50] : memref<2048x1024xf32, #tpu.memory_space<hbm>> -> memref<32x1024xf32, #tpu.memory_space<hbm>>
      tpu.wait_dma2 semaphore(%run_scoped3A : memref<!tpu.dma_semaphore, #tpu.memory_space<semaphore_mem>>) src(%arg10 : memref<32x1024xf32, #tpu.memory_space<vmem>>) dst(%dma_wait3A_51 : memref<32x1024xf32, #tpu.memory_space<hbm>>)
      tpu.yield
    }) : () -> ()
    return
  }
}

module attributes {stable_mosaic.version = 14 : i64} {
  func.func @_router_kernel(%arg0: memref<2048x1024xf32, #tpu.memory_space<vmem>>, %arg1: memref<128x1024xf32, #tpu.memory_space<vmem>>, %arg2: memref<2048x1xi32, #tpu.memory_space<vmem>>, %arg3: memref<2048x1xi32, #tpu.memory_space<vmem>>, %arg4: memref<2048x16xf32, #tpu.memory_space<vmem>>, %arg5: memref<2048x16xf32, #tpu.memory_space<vmem>>, %arg6: memref<1x128xi32, #tpu.memory_space<vmem>>, %arg7: memref<1x1xf32, #tpu.memory_space<vmem>>, %arg8: memref<1x1xf32, #tpu.memory_space<vmem>>) attributes {dimension_semantics = [], scalar_prefetch = 0 : i64, scratch_operands = 0 : i64, tpu.core_type = #tpu.core_type<tc>} {
    %get3A = arith.constant 0 : index
    %get3A_0 = arith.constant 0 : index
    %get3A_1 = vector.load %arg0[%get3A, %get3A_0] : memref<2048x1024xf32, #tpu.memory_space<vmem>>, vector<2048x1024xf32>
    %get3A_2 = arith.constant 0 : index
    %get3A_3 = arith.constant 0 : index
    %get3A_4 = vector.load %arg1[%get3A_2, %get3A_3] : memref<128x1024xf32, #tpu.memory_space<vmem>>, vector<128x1024xf32>
    %dot_general3A = arith.constant dense<0.000000e+00> : vector<2048x128xf32>
    %dot_general3A_5 = tpu.matmul %get3A_1, %get3A_4, %dot_general3A {dimension_numbers = #tpu.dot_dimension_numbers<[1], [1], [0], [0], [0, 0, 1, 0], [], []>, transpose_lhs_hint = false} : vector<2048x1024xf32>, vector<128x1024xf32>, vector<2048x128xf32> -> vector<2048x128xf32>
    %iota3A = tpu.iota {dimensions = array<i32: 1>} : vector<2048x128xi32>
    %lt3A = arith.constant 8 : i32
    %lt3A_6 = vector.broadcast %lt3A : i32 to vector<2048x128xi32>
    %lt3A_7 = arith.cmpi slt, %iota3A, %lt3A_6 : vector<2048x128xi32>
    %jit3A = arith.constant -1.000000e+30 : f32
    %broadcast_in_dim3A = vector.broadcast %jit3A : f32 to vector<2048x128xf32>
    %select_n3A = arith.select %lt3A_7, %dot_general3A_5, %broadcast_in_dim3A : vector<2048x128xi1>, vector<2048x128xf32>
    %reduce_max3A = arith.constant dense<0xFF800000> : vector<2048xf32>
    %reduce_max3A_8 = vector.multi_reduction <maximumf>, %select_n3A, %reduce_max3A [1] : vector<2048x128xf32> to vector<2048xf32>
    %broadcast_in_dim3A_9 = vector.shape_cast %reduce_max3A_8 : vector<2048xf32> to vector<2048x1xf32>
    %eq3A = vector.broadcast %broadcast_in_dim3A_9 : vector<2048x1xf32> to vector<2048x128xf32>
    %eq3A_10 = arith.cmpf oeq, %select_n3A, %eq3A : vector<2048x128xf32>
    %jit3A_11 = arith.constant 128 : i32
    %broadcast_in_dim3A_12 = vector.broadcast %jit3A_11 : i32 to vector<2048x128xi32>
    %select_n3A_13 = arith.select %eq3A_10, %iota3A, %broadcast_in_dim3A_12 : vector<2048x128xi1>, vector<2048x128xi32>
    %reduce_min3A = arith.constant dense<2147483647> : vector<2048xi32>
    %reduce_min3A_14 = vector.multi_reduction <minsi>, %select_n3A_13, %reduce_min3A [1] : vector<2048x128xi32> to vector<2048xi32>
    %broadcast_in_dim3A_15 = vector.shape_cast %reduce_min3A_14 : vector<2048xi32> to vector<2048x1xi32>
    %eq3A_16 = vector.broadcast %broadcast_in_dim3A_15 : vector<2048x1xi32> to vector<2048x128xi32>
    %eq3A_17 = arith.cmpi eq, %iota3A, %eq3A_16 : vector<2048x128xi32>
    %jit3A_18 = arith.constant -1.000000e+30 : f32
    %broadcast_in_dim3A_19 = vector.broadcast %jit3A_18 : f32 to vector<2048x128xf32>
    %select_n3A_20 = arith.select %eq3A_17, %broadcast_in_dim3A_19, %select_n3A : vector<2048x128xi1>, vector<2048x128xf32>
    %reduce_max3A_21 = arith.constant dense<0xFF800000> : vector<2048xf32>
    %reduce_max3A_22 = vector.multi_reduction <maximumf>, %select_n3A_20, %reduce_max3A_21 [1] : vector<2048x128xf32> to vector<2048xf32>
    %broadcast_in_dim3A_23 = vector.shape_cast %reduce_max3A_22 : vector<2048xf32> to vector<2048x1xf32>
    %eq3A_24 = vector.broadcast %broadcast_in_dim3A_23 : vector<2048x1xf32> to vector<2048x128xf32>
    %eq3A_25 = arith.cmpf oeq, %select_n3A_20, %eq3A_24 : vector<2048x128xf32>
    %jit3A_26 = arith.constant 128 : i32
    %broadcast_in_dim3A_27 = vector.broadcast %jit3A_26 : i32 to vector<2048x128xi32>
    %select_n3A_28 = arith.select %eq3A_25, %iota3A, %broadcast_in_dim3A_27 : vector<2048x128xi1>, vector<2048x128xi32>
    %reduce_min3A_29 = arith.constant dense<2147483647> : vector<2048xi32>
    %reduce_min3A_30 = vector.multi_reduction <minsi>, %select_n3A_28, %reduce_min3A_29 [1] : vector<2048x128xi32> to vector<2048xi32>
    %broadcast_in_dim3A_31 = vector.shape_cast %reduce_min3A_30 : vector<2048xi32> to vector<2048x1xi32>
    %sub3A = arith.subf %broadcast_in_dim3A_23, %broadcast_in_dim3A_9 : vector<2048x1xf32>
    %exp3A = math.exp %sub3A : vector<2048x1xf32>
    %add3A = arith.constant 1.000000e+00 : f32
    %add3A_32 = vector.broadcast %add3A : f32 to vector<2048x1xf32>
    %add3A_33 = arith.addf %add3A_32, %exp3A : vector<2048x1xf32>
    %div3A = arith.constant 1.000000e+00 : f32
    %div3A_34 = vector.broadcast %div3A : f32 to vector<2048x1xf32>
    %div3A_35 = arith.divf %div3A_34, %add3A_33 : vector<2048x1xf32>
    %broadcast_in_dim3A_36 = vector.shape_cast %div3A_35 : vector<2048x1xf32> to vector<2048x1xf32>
    %broadcast_in_dim3A_37 = vector.broadcast %broadcast_in_dim3A_36 : vector<2048x1xf32> to vector<2048x16xf32>
    %swap3A = arith.constant 0 : index
    %swap3A_38 = arith.constant 0 : index
    %swap3A_39 = vector.load %arg4[%swap3A, %swap3A_38] : memref<2048x16xf32, #tpu.memory_space<vmem>>, vector<2048x16xf32>
    tpu.vector_store %arg4[%swap3A, %swap3A_38], %broadcast_in_dim3A_37 {strides = array<i32>} : memref<2048x16xf32, #tpu.memory_space<vmem>>, vector<2048x16xf32>,
    %sub3A_40 = arith.constant 1.000000e+00 : f32
    %sub3A_41 = vector.broadcast %sub3A_40 : f32 to vector<2048x1xf32>
    %sub3A_42 = arith.subf %sub3A_41, %div3A_35 : vector<2048x1xf32>
    %broadcast_in_dim3A_43 = vector.shape_cast %sub3A_42 : vector<2048x1xf32> to vector<2048x1xf32>
    %broadcast_in_dim3A_44 = vector.broadcast %broadcast_in_dim3A_43 : vector<2048x1xf32> to vector<2048x16xf32>
    %swap3A_45 = arith.constant 0 : index
    %swap3A_46 = arith.constant 0 : index
    %swap3A_47 = vector.load %arg5[%swap3A_45, %swap3A_46] : memref<2048x16xf32, #tpu.memory_space<vmem>>, vector<2048x16xf32>
    tpu.vector_store %arg5[%swap3A_45, %swap3A_46], %broadcast_in_dim3A_44 {strides = array<i32>} : memref<2048x16xf32, #tpu.memory_space<vmem>>, vector<2048x16xf32>,
    %sub3A_48 = vector.broadcast %broadcast_in_dim3A_9 : vector<2048x1xf32> to vector<2048x128xf32>
    %sub3A_49 = arith.subf %select_n3A, %sub3A_48 : vector<2048x128xf32>
    %exp3A_50 = math.exp %sub3A_49 : vector<2048x128xf32>
    %jit3A_51 = arith.constant 0.000000e+00 : f32
    %broadcast_in_dim3A_52 = vector.broadcast %jit3A_51 : f32 to vector<2048x128xf32>
    %select_n3A_53 = arith.select %lt3A_7, %exp3A_50, %broadcast_in_dim3A_52 : vector<2048x128xi1>, vector<2048x128xf32>
    %reduce_sum3A = arith.constant dense<0.000000e+00> : vector<2048xf32>
    %reduce_sum3A_54 = vector.multi_reduction <add>, %select_n3A_53, %reduce_sum3A [1] : vector<2048x128xf32> to vector<2048xf32>
    %broadcast_in_dim3A_55 = vector.shape_cast %reduce_sum3A_54 : vector<2048xf32> to vector<2048x1xf32>
    %div3A_56 = vector.broadcast %broadcast_in_dim3A_55 : vector<2048x1xf32> to vector<2048x128xf32>
    %div3A_57 = arith.divf %select_n3A_53, %div3A_56 : vector<2048x128xf32>
    %reduce_sum3A_58 = arith.constant dense<0.000000e+00> : vector<128xf32>
    %reduce_sum3A_59 = vector.multi_reduction <add>, %div3A_57, %reduce_sum3A_58 [0] : vector<2048x128xf32> to vector<128xf32>
    %broadcast_in_dim3A_60 = vector.shape_cast %reduce_sum3A_59 : vector<128xf32> to vector<1x128xf32>
    %div3A_61 = arith.constant 2.048000e+03 : f32
    %div3A_62 = vector.broadcast %div3A_61 : f32 to vector<1x128xf32>
    %div3A_63 = arith.divf %broadcast_in_dim3A_60, %div3A_62 : vector<1x128xf32>
    %mul3A = arith.mulf %div3A_63, %div3A_63 : vector<1x128xf32>
    %reduce_sum3A_64 = vector.shape_cast %mul3A : vector<1x128xf32> to vector<1x1x128xf32>
    %reduce_sum3A_65 = arith.constant dense<0.000000e+00> : vector<1xf32>
    %reduce_sum3A_66 = vector.multi_reduction <add>, %reduce_sum3A_64, %reduce_sum3A_65 [1, 2] : vector<1x1x128xf32> to vector<1xf32>
    %reduce_sum3A_67 = vector.shape_cast %reduce_sum3A_66 : vector<1xf32> to vector<1x1x1xf32>
    %reduce_sum3A_68 = vector.extract %reduce_sum3A_67[0, 0, 0] : f32 from vector<1x1x1xf32>
    %broadcast_in_dim3A_69 = vector.broadcast %reduce_sum3A_68 : f32 to vector<1x1xf32>
    %mul3A_70 = arith.constant 8.000000e+00 : f32
    %mul3A_71 = vector.broadcast %mul3A_70 : f32 to vector<1x1xf32>
    %mul3A_72 = arith.mulf %mul3A_71, %broadcast_in_dim3A_69 : vector<1x1xf32>
    %swap3A_73 = arith.constant 0 : index
    %swap3A_74 = arith.constant 0 : index
    %swap3A_75 = vector.load %arg7[%swap3A_73, %swap3A_74] : memref<1x1xf32, #tpu.memory_space<vmem>>, vector<1x1xf32>
    tpu.vector_store %arg7[%swap3A_73, %swap3A_74], %mul3A_72 {strides = array<i32>} : memref<1x1xf32, #tpu.memory_space<vmem>>, vector<1x1xf32>,
    %log3A = math.log %broadcast_in_dim3A_55 : vector<2048x1xf32>
    %add3A_76 = arith.addf %log3A, %broadcast_in_dim3A_9 : vector<2048x1xf32>
    %mul3A_77 = arith.mulf %add3A_76, %add3A_76 : vector<2048x1xf32>
    %reduce_sum3A_78 = arith.constant dense<0.000000e+00> : vector<1xf32>
    %reduce_sum3A_79 = vector.multi_reduction <add>, %mul3A_77, %reduce_sum3A_78 [0] : vector<2048x1xf32> to vector<1xf32>
    %broadcast_in_dim3A_80 = vector.shape_cast %reduce_sum3A_79 : vector<1xf32> to vector<1x1xf32>
    %div3A_81 = arith.constant 2.048000e+03 : f32
    %div3A_82 = vector.broadcast %div3A_81 : f32 to vector<1x1xf32>
    %div3A_83 = arith.divf %broadcast_in_dim3A_80, %div3A_82 : vector<1x1xf32>
    %swap3A_84 = arith.constant 0 : index
    %swap3A_85 = arith.constant 0 : index
    %swap3A_86 = vector.load %arg8[%swap3A_84, %swap3A_85] : memref<1x1xf32, #tpu.memory_space<vmem>>, vector<1x1xf32>
    tpu.vector_store %arg8[%swap3A_84, %swap3A_85], %div3A_83 {strides = array<i32>} : memref<1x1xf32, #tpu.memory_space<vmem>>, vector<1x1xf32>,
    %eq3A_87 = vector.broadcast %broadcast_in_dim3A_15 : vector<2048x1xi32> to vector<2048x128xi32>
    %eq3A_88 = arith.cmpi eq, %iota3A, %eq3A_87 : vector<2048x128xi32>
    %add3A_89 = arith.constant 8 : i32
    %add3A_90 = vector.broadcast %add3A_89 : i32 to vector<2048x1xi32>
    %add3A_91 = arith.addi %broadcast_in_dim3A_31, %add3A_90 : vector<2048x1xi32>
    %eq3A_92 = vector.broadcast %add3A_91 : vector<2048x1xi32> to vector<2048x128xi32>
    %eq3A_93 = arith.cmpi eq, %iota3A, %eq3A_92 : vector<2048x128xi32>
    %or3A = arith.ori %eq3A_88, %eq3A_93 : vector<2048x128xi1>
    %convert_element_type3A = arith.extui %or3A : vector<2048x128xi1> to vector<2048x128xi32>
    %broadcast_in_dim3A_94 = arith.constant 0 : i32
    %broadcast_in_dim3A_95 = vector.broadcast %broadcast_in_dim3A_94 : i32 to vector<1x128xi32>
    %slice3A = vector.extract_strided_slice %convert_element_type3A {offsets = [0, 0], sizes = [2047, 128], strides = [1, 1]} : vector<2048x128xi32> to vector<2047x128xi32>
    %concatenate3A = tpu.concatenate %broadcast_in_dim3A_95, %slice3A in 0 : vector<1x128xi32>, vector<2047x128xi32> -> vector<2048x128xi32>
    %add3A_96 = arith.addi %convert_element_type3A, %concatenate3A : vector<2048x128xi32>
    %broadcast_in_dim3A_97 = arith.constant 0 : i32
    %broadcast_in_dim3A_98 = vector.broadcast %broadcast_in_dim3A_97 : i32 to vector<2x128xi32>
    %slice3A_99 = vector.extract_strided_slice %add3A_96 {offsets = [0, 0], sizes = [2046, 128], strides = [1, 1]} : vector<2048x128xi32> to vector<2046x128xi32>
    %concatenate3A_100 = tpu.concatenate %broadcast_in_dim3A_98, %slice3A_99 in 0 : vector<2x128xi32>, vector<2046x128xi32> -> vector<2048x128xi32>
    %add3A_101 = arith.addi %add3A_96, %concatenate3A_100 : vector<2048x128xi32>
    %broadcast_in_dim3A_102 = arith.constant 0 : i32
    %broadcast_in_dim3A_103 = vector.broadcast %broadcast_in_dim3A_102 : i32 to vector<4x128xi32>
    %slice3A_104 = vector.extract_strided_slice %add3A_101 {offsets = [0, 0], sizes = [2044, 128], strides = [1, 1]} : vector<2048x128xi32> to vector<2044x128xi32>
    %concatenate3A_105 = tpu.concatenate %broadcast_in_dim3A_103, %slice3A_104 in 0 : vector<4x128xi32>, vector<2044x128xi32> -> vector<2048x128xi32>
    %add3A_106 = arith.addi %add3A_101, %concatenate3A_105 : vector<2048x128xi32>
    %broadcast_in_dim3A_107 = arith.constant 0 : i32
    %broadcast_in_dim3A_108 = vector.broadcast %broadcast_in_dim3A_107 : i32 to vector<8x128xi32>
    %slice3A_109 = vector.extract_strided_slice %add3A_106 {offsets = [0, 0], sizes = [2040, 128], strides = [1, 1]} : vector<2048x128xi32> to vector<2040x128xi32>
    %concatenate3A_110 = tpu.concatenate %broadcast_in_dim3A_108, %slice3A_109 in 0 : vector<8x128xi32>, vector<2040x128xi32> -> vector<2048x128xi32>
    %add3A_111 = arith.addi %add3A_106, %concatenate3A_110 : vector<2048x128xi32>
    %broadcast_in_dim3A_112 = arith.constant 0 : i32
    %broadcast_in_dim3A_113 = vector.broadcast %broadcast_in_dim3A_112 : i32 to vector<16x128xi32>
    %slice3A_114 = vector.extract_strided_slice %add3A_111 {offsets = [0, 0], sizes = [2032, 128], strides = [1, 1]} : vector<2048x128xi32> to vector<2032x128xi32>
    %concatenate3A_115 = tpu.concatenate %broadcast_in_dim3A_113, %slice3A_114 in 0 : vector<16x128xi32>, vector<2032x128xi32> -> vector<2048x128xi32>
    %add3A_116 = arith.addi %add3A_111, %concatenate3A_115 : vector<2048x128xi32>
    %broadcast_in_dim3A_117 = arith.constant 0 : i32
    %broadcast_in_dim3A_118 = vector.broadcast %broadcast_in_dim3A_117 : i32 to vector<32x128xi32>
    %slice3A_119 = vector.extract_strided_slice %add3A_116 {offsets = [0, 0], sizes = [2016, 128], strides = [1, 1]} : vector<2048x128xi32> to vector<2016x128xi32>
    %concatenate3A_120 = tpu.concatenate %broadcast_in_dim3A_118, %slice3A_119 in 0 : vector<32x128xi32>, vector<2016x128xi32> -> vector<2048x128xi32>
    %add3A_121 = arith.addi %add3A_116, %concatenate3A_120 : vector<2048x128xi32>
    %broadcast_in_dim3A_122 = arith.constant 0 : i32
    %broadcast_in_dim3A_123 = vector.broadcast %broadcast_in_dim3A_122 : i32 to vector<64x128xi32>
    %slice3A_124 = vector.extract_strided_slice %add3A_121 {offsets = [0, 0], sizes = [1984, 128], strides = [1, 1]} : vector<2048x128xi32> to vector<1984x128xi32>
    %concatenate3A_125 = tpu.concatenate %broadcast_in_dim3A_123, %slice3A_124 in 0 : vector<64x128xi32>, vector<1984x128xi32> -> vector<2048x128xi32>
    %add3A_126 = arith.addi %add3A_121, %concatenate3A_125 : vector<2048x128xi32>
    %broadcast_in_dim3A_127 = arith.constant 0 : i32
    %broadcast_in_dim3A_128 = vector.broadcast %broadcast_in_dim3A_127 : i32 to vector<128x128xi32>
    %slice3A_129 = vector.extract_strided_slice %add3A_126 {offsets = [0, 0], sizes = [1920, 128], strides = [1, 1]} : vector<2048x128xi32> to vector<1920x128xi32>
    %concatenate3A_130 = tpu.concatenate %broadcast_in_dim3A_128, %slice3A_129 in 0 : vector<128x128xi32>, vector<1920x128xi32> -> vector<2048x128xi32>
    %add3A_131 = arith.addi %add3A_126, %concatenate3A_130 : vector<2048x128xi32>
    %broadcast_in_dim3A_132 = arith.constant 0 : i32
    %broadcast_in_dim3A_133 = vector.broadcast %broadcast_in_dim3A_132 : i32 to vector<256x128xi32>
    %slice3A_134 = vector.extract_strided_slice %add3A_131 {offsets = [0, 0], sizes = [1792, 128], strides = [1, 1]} : vector<2048x128xi32> to vector<1792x128xi32>
    %concatenate3A_135 = tpu.concatenate %broadcast_in_dim3A_133, %slice3A_134 in 0 : vector<256x128xi32>, vector<1792x128xi32> -> vector<2048x128xi32>
    %add3A_136 = arith.addi %add3A_131, %concatenate3A_135 : vector<2048x128xi32>
    %broadcast_in_dim3A_137 = arith.constant 0 : i32
    %broadcast_in_dim3A_138 = vector.broadcast %broadcast_in_dim3A_137 : i32 to vector<512x128xi32>
    %slice3A_139 = vector.extract_strided_slice %add3A_136 {offsets = [0, 0], sizes = [1536, 128], strides = [1, 1]} : vector<2048x128xi32> to vector<1536x128xi32>
    %concatenate3A_140 = tpu.concatenate %broadcast_in_dim3A_138, %slice3A_139 in 0 : vector<512x128xi32>, vector<1536x128xi32> -> vector<2048x128xi32>
    %add3A_141 = arith.addi %add3A_136, %concatenate3A_140 : vector<2048x128xi32>
    %broadcast_in_dim3A_142 = arith.constant 0 : i32
    %broadcast_in_dim3A_143 = vector.broadcast %broadcast_in_dim3A_142 : i32 to vector<1024x128xi32>
    %slice3A_144 = vector.extract_strided_slice %add3A_141 {offsets = [0, 0], sizes = [1024, 128], strides = [1, 1]} : vector<2048x128xi32> to vector<1024x128xi32>
    %concatenate3A_145 = tpu.concatenate %broadcast_in_dim3A_143, %slice3A_144 in 0 : vector<1024x128xi32>, vector<1024x128xi32> -> vector<2048x128xi32>
    %add3A_146 = arith.addi %add3A_141, %concatenate3A_145 : vector<2048x128xi32>
    %sub3A_147 = arith.subi %add3A_146, %convert_element_type3A : vector<2048x128xi32>
    %slice3A_148 = vector.extract_strided_slice %add3A_146 {offsets = [2047, 0], sizes = [1, 128], strides = [1, 1]} : vector<2048x128xi32> to vector<1x128xi32>
    %iota3A_149 = tpu.iota {dimensions = array<i32: 1>} : vector<1x128xi32>
    %lt3A_150 = arith.constant 8 : i32
    %lt3A_151 = vector.broadcast %lt3A_150 : i32 to vector<1x128xi32>
    %lt3A_152 = arith.cmpi slt, %iota3A_149, %lt3A_151 : vector<1x128xi32>
    %slice3A_153 = vector.extract_strided_slice %slice3A_148 {offsets = [0, 8], sizes = [1, 120], strides = [1, 1]} : vector<1x128xi32> to vector<1x120xi32>
    %broadcast_in_dim3A_154 = arith.constant 0 : i32
    %broadcast_in_dim3A_155 = vector.broadcast %broadcast_in_dim3A_154 : i32 to vector<1x8xi32>
    %concatenate3A_156 = tpu.concatenate %slice3A_153, %broadcast_in_dim3A_155 in 1 : vector<1x120xi32>, vector<1x8xi32> -> vector<1x128xi32>
    %add3A_157 = arith.addi %slice3A_148, %concatenate3A_156 : vector<1x128xi32>
    %jit3A_158 = arith.constant 0 : i32
    %broadcast_in_dim3A_159 = vector.broadcast %jit3A_158 : i32 to vector<1x128xi32>
    %select_n3A_160 = arith.select %lt3A_152, %add3A_157, %broadcast_in_dim3A_159 : vector<1x128xi1>, vector<1x128xi32>
    %swap3A_161 = arith.constant 0 : index
    %swap3A_162 = arith.constant 0 : index
    %swap3A_163 = vector.load %arg6[%swap3A_161, %swap3A_162] : memref<1x128xi32, #tpu.memory_space<vmem>>, vector<1x128xi32>
    tpu.vector_store %arg6[%swap3A_161, %swap3A_162], %select_n3A_160 {strides = array<i32>} : memref<1x128xi32, #tpu.memory_space<vmem>>, vector<1x128xi32>,
    %add3A_164 = arith.constant 639 : i32
    %add3A_165 = vector.broadcast %add3A_164 : i32 to vector<1x128xi32>
    %add3A_166 = arith.addi %select_n3A_160, %add3A_165 : vector<1x128xi32>
    %jit3A_167 = arith.constant 640 : i32
    %div3A_168 = vector.broadcast %jit3A_167 : i32 to vector<1x128xi32>
    %div3A_169 = arith.divsi %add3A_166, %div3A_168 : vector<1x128xi32>
    %sign3A = arith.constant 0 : i32
    %sign3A_170 = vector.broadcast %sign3A : i32 to vector<1x128xi32>
    %sign3A_171 = arith.cmpi sgt, %add3A_166, %sign3A_170 : vector<1x128xi32>
    %sign3A_172 = arith.extui %sign3A_171 : vector<1x128xi1> to vector<1x128xi32>
    %sign3A_173 = arith.constant 0 : i32
    %sign3A_174 = vector.broadcast %sign3A_173 : i32 to vector<1x128xi32>
    %sign3A_175 = arith.cmpi slt, %add3A_166, %sign3A_174 : vector<1x128xi32>
    %sign3A_176 = arith.extui %sign3A_175 : vector<1x128xi1> to vector<1x128xi32>
    %sign3A_177 = arith.subi %sign3A_172, %sign3A_176 : vector<1x128xi32>
    %sign3A_178 = arith.constant 0 : i32
    %sign3A_179 = arith.cmpi sgt, %jit3A_167, %sign3A_178 : i32
    %sign3A_180 = arith.extui %sign3A_179 : i1 to i32
    %sign3A_181 = arith.constant 0 : i32
    %sign3A_182 = arith.cmpi slt, %jit3A_167, %sign3A_181 : i32
    %sign3A_183 = arith.extui %sign3A_182 : i1 to i32
    %sign3A_184 = arith.subi %sign3A_180, %sign3A_183 : i32
    %ne3A = vector.broadcast %sign3A_184 : i32 to vector<1x128xi32>
    %ne3A_185 = arith.cmpi ne, %sign3A_177, %ne3A : vector<1x128xi32>
    %rem3A = vector.broadcast %jit3A_167 : i32 to vector<1x128xi32>
    %rem3A_186 = arith.remsi %add3A_166, %rem3A : vector<1x128xi32>
    %ne3A_187 = arith.constant 0 : i32
    %ne3A_188 = vector.broadcast %ne3A_187 : i32 to vector<1x128xi32>
    %ne3A_189 = arith.cmpi ne, %rem3A_186, %ne3A_188 : vector<1x128xi32>
    %and3A = arith.andi %ne3A_185, %ne3A_189 : vector<1x128xi1>
    %sub3A_190 = arith.constant 1 : i32
    %sub3A_191 = vector.broadcast %sub3A_190 : i32 to vector<1x128xi32>
    %sub3A_192 = arith.subi %div3A_169, %sub3A_191 : vector<1x128xi32>
    %select_n3A_193 = arith.select %and3A, %sub3A_192, %div3A_169 : vector<1x128xi1>, vector<1x128xi32>
    %mul3A_194 = arith.constant 640 : i32
    %mul3A_195 = vector.broadcast %mul3A_194 : i32 to vector<1x128xi32>
    %mul3A_196 = arith.muli %select_n3A_193, %mul3A_195 : vector<1x128xi32>
    %broadcast_in_dim3A_197 = arith.constant 0 : i32
    %broadcast_in_dim3A_198 = vector.broadcast %broadcast_in_dim3A_197 : i32 to vector<1x1xi32>
    %slice3A_199 = vector.extract_strided_slice %mul3A_196 {offsets = [0, 0], sizes = [1, 127], strides = [1, 1]} : vector<1x128xi32> to vector<1x127xi32>
    %concatenate3A_200 = tpu.concatenate %broadcast_in_dim3A_198, %slice3A_199 in 1 : vector<1x1xi32>, vector<1x127xi32> -> vector<1x128xi32>
    %add3A_201 = arith.addi %mul3A_196, %concatenate3A_200 : vector<1x128xi32>
    %broadcast_in_dim3A_202 = arith.constant 0 : i32
    %broadcast_in_dim3A_203 = vector.broadcast %broadcast_in_dim3A_202 : i32 to vector<1x2xi32>
    %slice3A_204 = vector.extract_strided_slice %add3A_201 {offsets = [0, 0], sizes = [1, 126], strides = [1, 1]} : vector<1x128xi32> to vector<1x126xi32>
    %concatenate3A_205 = tpu.concatenate %broadcast_in_dim3A_203, %slice3A_204 in 1 : vector<1x2xi32>, vector<1x126xi32> -> vector<1x128xi32>
    %add3A_206 = arith.addi %add3A_201, %concatenate3A_205 : vector<1x128xi32>
    %broadcast_in_dim3A_207 = arith.constant 0 : i32
    %broadcast_in_dim3A_208 = vector.broadcast %broadcast_in_dim3A_207 : i32 to vector<1x4xi32>
    %slice3A_209 = vector.extract_strided_slice %add3A_206 {offsets = [0, 0], sizes = [1, 124], strides = [1, 1]} : vector<1x128xi32> to vector<1x124xi32>
    %concatenate3A_210 = tpu.concatenate %broadcast_in_dim3A_208, %slice3A_209 in 1 : vector<1x4xi32>, vector<1x124xi32> -> vector<1x128xi32>
    %add3A_211 = arith.addi %add3A_206, %concatenate3A_210 : vector<1x128xi32>
    %lt3A_212 = arith.constant 8 : i32
    %lt3A_213 = vector.broadcast %lt3A_212 : i32 to vector<1x128xi32>
    %lt3A_214 = arith.cmpi slt, %iota3A_149, %lt3A_213 : vector<1x128xi32>
    %sub3A_215 = arith.subi %add3A_211, %mul3A_196 : vector<1x128xi32>
    %jit3A_216 = arith.constant 0 : i32
    %broadcast_in_dim3A_217 = vector.broadcast %jit3A_216 : i32 to vector<1x128xi32>
    %select_n3A_218 = arith.select %lt3A_214, %sub3A_215, %broadcast_in_dim3A_217 : vector<1x128xi1>, vector<1x128xi32>
    %lt3A_219 = arith.constant 8 : i32
    %lt3A_220 = vector.broadcast %lt3A_219 : i32 to vector<1x128xi32>
    %lt3A_221 = arith.cmpi slt, %iota3A_149, %lt3A_220 : vector<1x128xi32>
    %jit3A_222 = arith.constant 0 : i32
    %broadcast_in_dim3A_223 = vector.broadcast %jit3A_222 : i32 to vector<1x128xi32>
    %select_n3A_224 = arith.select %lt3A_221, %slice3A_148, %broadcast_in_dim3A_223 : vector<1x128xi1>, vector<1x128xi32>
    %ge3A = arith.constant 8 : i32
    %ge3A_225 = vector.broadcast %ge3A : i32 to vector<1x128xi32>
    %ge3A_226 = arith.cmpi sge, %iota3A_149, %ge3A_225 : vector<1x128xi32>
    %lt3A_227 = arith.constant 16 : i32
    %lt3A_228 = vector.broadcast %lt3A_227 : i32 to vector<1x128xi32>
    %lt3A_229 = arith.cmpi slt, %iota3A_149, %lt3A_228 : vector<1x128xi32>
    %and3A_230 = arith.andi %ge3A_226, %lt3A_229 : vector<1x128xi1>
    %add3A_231 = arith.addi %select_n3A_218, %select_n3A_224 : vector<1x128xi32>
    %broadcast_in_dim3A_232 = arith.constant 0 : i32
    %broadcast_in_dim3A_233 = vector.broadcast %broadcast_in_dim3A_232 : i32 to vector<1x8xi32>
    %slice3A_234 = vector.extract_strided_slice %add3A_231 {offsets = [0, 0], sizes = [1, 120], strides = [1, 1]} : vector<1x128xi32> to vector<1x120xi32>
    %concatenate3A_235 = tpu.concatenate %broadcast_in_dim3A_233, %slice3A_234 in 1 : vector<1x8xi32>, vector<1x120xi32> -> vector<1x128xi32>
    %jit3A_236 = arith.constant 0 : i32
    %broadcast_in_dim3A_237 = vector.broadcast %jit3A_236 : i32 to vector<1x128xi32>
    %select_n3A_238 = arith.select %and3A_230, %concatenate3A_235, %broadcast_in_dim3A_237 : vector<1x128xi1>, vector<1x128xi32>
    %lt3A_239 = arith.constant 8 : i32
    %lt3A_240 = vector.broadcast %lt3A_239 : i32 to vector<1x128xi32>
    %lt3A_241 = arith.cmpi slt, %iota3A_149, %lt3A_240 : vector<1x128xi32>
    %jit3A_242 = arith.constant 0 : i32
    %broadcast_in_dim3A_243 = vector.broadcast %jit3A_242 : i32 to vector<1x128xi32>
    %select_n3A_244 = arith.select %lt3A_241, %select_n3A_218, %broadcast_in_dim3A_243 : vector<1x128xi1>, vector<1x128xi32>
    %add3A_245 = arith.addi %select_n3A_244, %select_n3A_238 : vector<1x128xi32>
    %add3A_246 = vector.broadcast %add3A_245 : vector<1x128xi32> to vector<2048x128xi32>
    %add3A_247 = arith.addi %sub3A_147, %add3A_246 : vector<2048x128xi32>
    %eq3A_248 = vector.broadcast %broadcast_in_dim3A_15 : vector<2048x1xi32> to vector<2048x128xi32>
    %eq3A_249 = arith.cmpi eq, %iota3A, %eq3A_248 : vector<2048x128xi32>
    %jit3A_250 = arith.constant 0 : i32
    %broadcast_in_dim3A_251 = vector.broadcast %jit3A_250 : i32 to vector<2048x128xi32>
    %select_n3A_252 = arith.select %eq3A_249, %add3A_247, %broadcast_in_dim3A_251 : vector<2048x128xi1>, vector<2048x128xi32>
    %reduce_sum3A_253 = arith.constant dense<0> : vector<2048xi32>
    %reduce_sum3A_254 = vector.multi_reduction <add>, %select_n3A_252, %reduce_sum3A_253 [1] : vector<2048x128xi32> to vector<2048xi32>
    %broadcast_in_dim3A_255 = vector.shape_cast %reduce_sum3A_254 : vector<2048xi32> to vector<2048x1xi32>
    %swap3A_256 = arith.constant 0 : index
    %swap3A_257 = arith.constant 0 : index
    %swap3A_258 = vector.load %arg2[%swap3A_256, %swap3A_257] : memref<2048x1xi32, #tpu.memory_space<vmem>>, vector<2048x1xi32>
    tpu.vector_store %arg2[%swap3A_256, %swap3A_257], %broadcast_in_dim3A_255 {strides = array<i32>} : memref<2048x1xi32, #tpu.memory_space<vmem>>, vector<2048x1xi32>,
    %add3A_259 = arith.constant 8 : i32
    %add3A_260 = vector.broadcast %add3A_259 : i32 to vector<2048x1xi32>
    %add3A_261 = arith.addi %broadcast_in_dim3A_31, %add3A_260 : vector<2048x1xi32>
    %eq3A_262 = vector.broadcast %add3A_261 : vector<2048x1xi32> to vector<2048x128xi32>
    %eq3A_263 = arith.cmpi eq, %iota3A, %eq3A_262 : vector<2048x128xi32>
    %jit3A_264 = arith.constant 0 : i32
    %broadcast_in_dim3A_265 = vector.broadcast %jit3A_264 : i32 to vector<2048x128xi32>
    %select_n3A_266 = arith.select %eq3A_263, %add3A_247, %broadcast_in_dim3A_265 : vector<2048x128xi1>, vector<2048x128xi32>
    %reduce_sum3A_267 = arith.constant dense<0> : vector<2048xi32>
    %reduce_sum3A_268 = vector.multi_reduction <add>, %select_n3A_266, %reduce_sum3A_267 [1] : vector<2048x128xi32> to vector<2048xi32>
    %broadcast_in_dim3A_269 = vector.shape_cast %reduce_sum3A_268 : vector<2048xi32> to vector<2048x1xi32>
    %swap3A_270 = arith.constant 0 : index
    %swap3A_271 = arith.constant 0 : index
    %swap3A_272 = vector.load %arg3[%swap3A_270, %swap3A_271] : memref<2048x1xi32, #tpu.memory_space<vmem>>, vector<2048x1xi32>
    tpu.vector_store %arg3[%swap3A_270, %swap3A_271], %broadcast_in_dim3A_269 {strides = array<i32>} : memref<2048x1xi32, #tpu.memory_space<vmem>>, vector<2048x1xi32>,
    return
  }
}

module attributes {stable_mosaic.version = 14 : i64} {
  func.func @_mm_kernel(%arg0: i32, %arg1: i32, %arg2: memref<14xi32, #tpu.memory_space<smem>>, %arg3: memref<1xi32, #tpu.memory_space<smem>>, %arg4: memref<640x1024xf32, #tpu.memory_space<vmem>>, %arg5: memref<1x768x1024xf32, #tpu.memory_space<vmem>>, %arg6: memref<1x768x1024xf32, #tpu.memory_space<vmem>>, %arg7: memref<1x1024x768xf32, #tpu.memory_space<vmem>>, %arg8: memref<640x1024xf32, #tpu.memory_space<vmem>>) attributes {dimension_semantics = [#tpu.dimension_semantics<parallel>, #tpu.dimension_semantics<arbitrary>], iteration_bounds = array<i64: 14, 4>, scalar_prefetch = 2 : i64, scratch_operands = 0 : i64, tpu.core_type = #tpu.core_type<tc>, window_params = [{transform_indices = @transform_0, window_bounds = array<i64: 640, 1024>}, {transform_indices = @transform_1, window_bounds = array<i64: 1, 768, 1024>}, {transform_indices = @transform_2, window_bounds = array<i64: 1, 768, 1024>}, {transform_indices = @transform_3, window_bounds = array<i64: 1, 1024, 768>}, {transform_indices = @transform_4, window_bounds = array<i64: 640, 1024>}]} {
    %get3A = arith.constant 0 : index
    %get3A_0 = memref.load %arg3[%get3A] : memref<1xi32, #tpu.memory_space<smem>>
    %lt3A = arith.cmpi slt, %arg0, %get3A_0 : i32
    %convert_element_type3A = arith.extui %lt3A : i1 to i32
    %cond3A = arith.constant 0 : i32
    %cond3A_1 = arith.cmpi ne, %convert_element_type3A, %cond3A : i32
    scf.if %cond3A_1 {
      %get3A_2 = arith.constant 0 : index
      %get3A_3 = arith.constant 0 : index
      %get3A_4 = vector.load %arg4[%get3A_2, %get3A_3] : memref<640x1024xf32, #tpu.memory_space<vmem>>, vector<640x1024xf32>
      %get3A_5 = arith.constant 0 : index
      %get3A_6 = arith.constant 0 : index
      %get3A_7 = arith.constant 0 : index
      %get3A_8 = vector.load %arg5[%get3A_5, %get3A_6, %get3A_7] : memref<1x768x1024xf32, #tpu.memory_space<vmem>>, vector<1x768x1024xf32>
      %get3A_9 = vector.shape_cast %get3A_8 : vector<1x768x1024xf32> to vector<768x1024xf32>
      %dot_general3A = arith.constant dense<0.000000e+00> : vector<640x768xf32>
      %dot_general3A_10 = tpu.matmul %get3A_4, %get3A_9, %dot_general3A {dimension_numbers = #tpu.dot_dimension_numbers<[1], [1], [0], [0], [0, 0, 1, 0], [], []>, transpose_lhs_hint = false} : vector<640x1024xf32>, vector<768x1024xf32>, vector<640x768xf32> -> vector<640x768xf32>
      %get3A_11 = arith.constant 0 : index
      %get3A_12 = arith.constant 0 : index
      %get3A_13 = arith.constant 0 : index
      %get3A_14 = vector.load %arg6[%get3A_11, %get3A_12, %get3A_13] : memref<1x768x1024xf32, #tpu.memory_space<vmem>>, vector<1x768x1024xf32>
      %get3A_15 = vector.shape_cast %get3A_14 : vector<1x768x1024xf32> to vector<768x1024xf32>
      %dot_general3A_16 = arith.constant dense<0.000000e+00> : vector<640x768xf32>
      %dot_general3A_17 = tpu.matmul %get3A_4, %get3A_15, %dot_general3A_16 {dimension_numbers = #tpu.dot_dimension_numbers<[1], [1], [0], [0], [0, 0, 1, 0], [], []>, transpose_lhs_hint = false} : vector<640x1024xf32>, vector<768x1024xf32>, vector<640x768xf32> -> vector<640x768xf32>
      %neg3A = arith.constant 0.000000e+00 : f32
      %neg3A_18 = vector.broadcast %neg3A : f32 to vector<640x768xf32>
      %neg3A_19 = arith.subf %neg3A_18, %dot_general3A_10 : vector<640x768xf32>
      %exp3A = math.exp %neg3A_19 : vector<640x768xf32>
      %add3A = arith.constant 1.000000e+00 : f32
      %add3A_20 = vector.broadcast %add3A : f32 to vector<640x768xf32>
      %add3A_21 = arith.addf %add3A_20, %exp3A : vector<640x768xf32>
      %div3A = arith.divf %dot_general3A_10, %add3A_21 : vector<640x768xf32>
      %mul3A = arith.mulf %div3A, %dot_general3A_17 : vector<640x768xf32>
      %mul3A_22 = arith.constant 768 : i32
      %mul3A_23 = arith.muli %arg1, %mul3A_22 : i32
      %iota3A = tpu.iota {dimensions = array<i32: 1>} : vector<640x768xi32>
      %add3A_24 = vector.broadcast %mul3A_23 : i32 to vector<640x768xi32>
      %add3A_25 = arith.addi %add3A_24, %iota3A : vector<640x768xi32>
      %lt3A_26 = arith.constant 2730 : i32
      %lt3A_27 = vector.broadcast %lt3A_26 : i32 to vector<640x768xi32>
      %lt3A_28 = arith.cmpi slt, %add3A_25, %lt3A_27 : vector<640x768xi32>
      %jit3A = arith.constant 0.000000e+00 : f32
      %broadcast_in_dim3A = vector.broadcast %jit3A : f32 to vector<640x768xf32>
      %select_n3A = arith.select %lt3A_28, %mul3A, %broadcast_in_dim3A : vector<640x768xi1>, vector<640x768xf32>
      %mul3A_29 = arith.constant 768 : i32
      %mul3A_30 = arith.muli %arg1, %mul3A_29 : i32
      %iota3A_31 = tpu.iota {dimensions = array<i32: 1>} : vector<1024x768xi32>
      %add3A_32 = vector.broadcast %mul3A_30 : i32 to vector<1024x768xi32>
      %add3A_33 = arith.addi %add3A_32, %iota3A_31 : vector<1024x768xi32>
      %lt3A_34 = arith.constant 2730 : i32
      %lt3A_35 = vector.broadcast %lt3A_34 : i32 to vector<1024x768xi32>
      %lt3A_36 = arith.cmpi slt, %add3A_33, %lt3A_35 : vector<1024x768xi32>
      %get3A_37 = arith.constant 0 : index
      %get3A_38 = arith.constant 0 : index
      %get3A_39 = arith.constant 0 : index
      %get3A_40 = vector.load %arg7[%get3A_37, %get3A_38, %get3A_39] : memref<1x1024x768xf32, #tpu.memory_space<vmem>>, vector<1x1024x768xf32>
      %get3A_41 = vector.shape_cast %get3A_40 : vector<1x1024x768xf32> to vector<1024x768xf32>
      %jit3A_42 = arith.constant 0.000000e+00 : f32
      %broadcast_in_dim3A_43 = vector.broadcast %jit3A_42 : f32 to vector<1024x768xf32>
      %select_n3A_44 = arith.select %lt3A_36, %get3A_41, %broadcast_in_dim3A_43 : vector<1024x768xi1>, vector<1024x768xf32>
      %dot_general3A_45 = arith.constant dense<0.000000e+00> : vector<640x1024xf32>
      %dot_general3A_46 = tpu.matmul %select_n3A, %select_n3A_44, %dot_general3A_45 {dimension_numbers = #tpu.dot_dimension_numbers<[1], [1], [0], [0], [0, 0, 1, 0], [], []>, transpose_lhs_hint = false} : vector<640x768xf32>, vector<1024x768xf32>, vector<640x1024xf32> -> vector<640x1024xf32>
      %eq3A = arith.constant 0 : i32
      %eq3A_47 = arith.cmpi eq, %arg1, %eq3A : i32
      %convert_element_type3A_48 = arith.extui %eq3A_47 : i1 to i32
      %cond3A_49 = arith.constant 0 : i32
      %cond3A_50 = arith.cmpi ne, %convert_element_type3A_48, %cond3A_49 : i32
      scf.if %cond3A_50 {
        %swap3A = arith.constant 0 : index
        %swap3A_55 = arith.constant 0 : index
        %swap3A_56 = vector.load %arg8[%swap3A, %swap3A_55] : memref<640x1024xf32, #tpu.memory_space<vmem>>, vector<640x1024xf32>
        tpu.vector_store %arg8[%swap3A, %swap3A_55], %dot_general3A_46 {strides = array<i32>} : memref<640x1024xf32, #tpu.memory_space<vmem>>, vector<640x1024xf32>,
      } else {
      }
      %gt3A = arith.constant 0 : i32
      %gt3A_51 = arith.cmpi sgt, %arg1, %gt3A : i32
      %convert_element_type3A_52 = arith.extui %gt3A_51 : i1 to i32
      %cond3A_53 = arith.constant 0 : i32
      %cond3A_54 = arith.cmpi ne, %convert_element_type3A_52, %cond3A_53 : i32
      scf.if %cond3A_54 {
        %get3A_55 = arith.constant 0 : index
        %get3A_56 = arith.constant 0 : index
        %get3A_57 = vector.load %arg8[%get3A_55, %get3A_56] : memref<640x1024xf32, #tpu.memory_space<vmem>>, vector<640x1024xf32>
        %add3A_58 = arith.addf %get3A_57, %dot_general3A_46 : vector<640x1024xf32>
        %swap3A = arith.constant 0 : index
        %swap3A_59 = arith.constant 0 : index
        %swap3A_60 = vector.load %arg8[%swap3A, %swap3A_59] : memref<640x1024xf32, #tpu.memory_space<vmem>>, vector<640x1024xf32>
        tpu.vector_store %arg8[%swap3A, %swap3A_59], %add3A_58 {strides = array<i32>} : memref<640x1024xf32, #tpu.memory_space<vmem>>, vector<640x1024xf32>,
      } else {
      }
    } else {
    }
    return
  }
  func.func @transform_0(%arg0: i32, %arg1: i32, %arg2: memref<14xi32, #tpu.memory_space<smem>>, %arg3: memref<1xi32, #tpu.memory_space<smem>>) -> (i32, i32) {
    %get3A = arith.constant 0 : index
    %get3A_0 = memref.load %arg3[%get3A] : memref<1xi32, #tpu.memory_space<smem>>
    %sub3A = arith.constant 1 : i32
    %sub3A_1 = arith.subi %get3A_0, %sub3A : i32
    %min3A = arith.minsi %arg0, %sub3A_1 : i32
    %c0_i32 = arith.constant 0 : i32
    %c0_i32_2 = arith.constant 0 : i32
    return %min3A, %c0_i32 : i32, i32
  }
  func.func @transform_1(%arg0: i32, %arg1: i32, %arg2: memref<14xi32, #tpu.memory_space<smem>>, %arg3: memref<1xi32, #tpu.memory_space<smem>>) -> (i32, i32, i32) {
    %get3A = arith.index_cast %arg0 : i32 to index
    %get3A_0 = memref.load %arg2[%get3A] : memref<14xi32, #tpu.memory_space<smem>>
    %c0_i32 = arith.constant 0 : i32
    %c0_i32_1 = arith.constant 0 : i32
    return %get3A_0, %arg1, %c0_i32 : i32, i32, i32
  }
  func.func @transform_2(%arg0: i32, %arg1: i32, %arg2: memref<14xi32, #tpu.memory_space<smem>>, %arg3: memref<1xi32, #tpu.memory_space<smem>>) -> (i32, i32, i32) {
    %get3A = arith.index_cast %arg0 : i32 to index
    %get3A_0 = memref.load %arg2[%get3A] : memref<14xi32, #tpu.memory_space<smem>>
    %c0_i32 = arith.constant 0 : i32
    %c0_i32_1 = arith.constant 0 : i32
    return %get3A_0, %arg1, %c0_i32 : i32, i32, i32
  }
  func.func @transform_3(%arg0: i32, %arg1: i32, %arg2: memref<14xi32, #tpu.memory_space<smem>>, %arg3: memref<1xi32, #tpu.memory_space<smem>>) -> (i32, i32, i32) {
    %get3A = arith.index_cast %arg0 : i32 to index
    %get3A_0 = memref.load %arg2[%get3A] : memref<14xi32, #tpu.memory_space<smem>>
    %c0_i32 = arith.constant 0 : i32
    %c0_i32_1 = arith.constant 0 : i32
    return %get3A_0, %c0_i32, %arg1 : i32, i32, i32
  }
  func.func @transform_4(%arg0: i32, %arg1: i32, %arg2: memref<14xi32, #tpu.memory_space<smem>>, %arg3: memref<1xi32, #tpu.memory_space<smem>>) -> (i32, i32) {
    %get3A = arith.constant 0 : index
    %get3A_0 = memref.load %arg3[%get3A] : memref<1xi32, #tpu.memory_space<smem>>
    %sub3A = arith.constant 1 : i32
    %sub3A_1 = arith.subi %get3A_0, %sub3A : i32
    %min3A = arith.minsi %arg0, %sub3A_1 : i32
    %c0_i32 = arith.constant 0 : i32
    %c0_i32_2 = arith.constant 0 : i32
    return %min3A, %c0_i32 : i32, i32
  }
}

</mosaic_0001>

<sc_bundles>
// kernel: kernel.6.cloned.1.call-start
scs
__scs_entry_jumppad:
0x0: {  	(pc) =	sbr.rel $0x88, $3  }
0x1: {  	(tag) =	ssettag $0x0;
	lr =	simm.s32 $0x1  }
0x2: {  	[smem:$0x3F9C] =	sst lr;
	_ =	strace $0xD0000000  }
0x3: {  	_ = 	snop  }
0x4: {  	_ = 	snop  }
0x5: {  	_ = 	snop  }
0x6: {  	_ = 	snop  }
0x7: {  	_ = 	snop  }
__scs_overlays_trampoline_lowered:
0x8: {  	[smem:$0x3FAB] =	sst s0  }
0x9: {  	[smem:$0x3FAC] =	sst s1  }
0xa: {  	[smem:$0x3FAD] =	sst s2  }
0xb: {  	[smem:$0x3FAE] =	sst s3  }
0xc: {  	[smem:$0x3FAF] =	sst s4  }
0xd: {  	[smem:$0x3FB0] =	sst s5  }
0xe: {  	[smem:$0x3FB1] =	sst s6  }
0xf: {  	[smem:$0x3FB2] =	sst s7  }
0x10: {  	[smem:$0x3FB3] =	sst s8  }
0x11: {  	[smem:$0x3FB4] =	sst s9;
	s0 =	simm.s32 @!p0 $0x0  }
0x12: {  	s1 =	sld [smem:$0x3F9A];
	s0 =	simm.s32 @p0 $0x1  }
0x13: {  	[smem:$0x3FB5] =	sst s0;
	s0 =	simm.s32 @!p1 $0x0  }
0x14: {  	s2 =	sld [smem:$0x3F99];
	s0 =	simm.s32 @p1 $0x1  }
0x15: {  	[smem:$0x3FB6] =	sst s0;
	s0 =	simm.s32 @!p2 $0x0  }
0x16: {  	s3 =	sld [smem:$0x3FDB];
	s0 =	simm.s32 @p2 $0x1  }
0x17: {  	s4 =	simm.s32 $0x1BF5;
	[smem:$0x3FB8] =	sst s0  }
0x18: {  	s0 =	sld [smem:$0x3F9B];
	_ =	swait.ge [sflag:s4], $0x0  }
0x19: {  	s7 =	sld [smem:$0x3F9C]  }
0x1a: {  	s8 =	sadd.s32 $0xFFFFE003, lr  }
0x1b: {  	s9 =	sadd.s32 $0xFFFFFEF7, lr;
	s5 =	simm.s32 $0xFFFFFFFF;
	p2 =	slt.u32 s8, $0xFFFFF086  }
0x1c: {  	p1 =	slt.u32 s9, $0xF7A;
	s5 =	simm.s32 @!p2 $0x0  }
0x1d: {  	s5 =	simm.s32 @p1 $0x1;
	p0 =	seq.s32 s7, s2  }
0x1e: {  	s7 =	smul.u32 @!p0 $0xF7A, s2;
	p2 =	seq.s32 @!p0 s5, $0x0  }
0x1f: {  	s9 =	smul.u32 $0xF7A, s1;
	s8 =	simm.s32 @!p0 $0x1BF5;
	p2 =	por !p2, p0  }
0x20: {  	[sflag:s8] =	ssyncset.s32 @!p0 $0xFFFFF086;
	s6 =	sadd.s32 @!p0 s3, s7;
	s7 =	simm.s32 @!p0 $0x108  }
0x21: {  	s3 =	sadd.s32 s3, s9;
	s6 =	sadd.s32 @!p0 $0x88, s6;
	s7 =	simm.s32 @p2 $0x1082  }
0x22: {  	[simem:s7], [sflag:s8] =	dma.local @!p0 [hbm:s6], $0xF7A  }
0x23: {  	s9 =	sor.u32 $0xD0000000, s2;
	s6 =	simm.s32 $0x108;
	_ =	swait.ge @!p0 [sflag:s8], $0x0  }
0x24: {  	s3 =	sadd.s32 $0x88, s3;
	s6 =	simm.s32 @!p1 $0x1082;
	[sflag:s4] =	ssyncset.s32 $0xFFFFF086  }
0x25: {  	[simem:s6], [sflag:s4] =	dma.local [hbm:s3], $0xF7A  }
0x26: {  	[smem:$0x3F9C] =	sst s1;
	(tag) =	ssettag s2;
	_ =	strace s9  }
0x27: {  	s1 =	sld [smem:$0x3FAC]  }
0x28: {  	s2 =	sld [smem:$0x3FAD]  }
0x29: {  	s4 =	sld [smem:$0x3FAF]  }
0x2a: {  	p0 =	seq.s32 s5, $0x0;
	s5 =	sld [smem:$0x3FB0]  }
0x2b: {  	s6 =	sld [smem:$0x3FB1]  }
0x2c: {  	s7 =	sld [smem:$0x3FB2]  }
0x2d: {  	s3 =	simm.s32 $0x108;
	s8 =	sld [smem:$0x3FB3]  }
0x2e: {  	s3 =	simm.s32 @!p0 $0x1082;
	s9 =	sld [smem:$0x3FB4]  }
0x2f: {  	lr =	sadd.s32 s0, s3;
	s0 =	sld [smem:$0x3FAB]  }
0x30: {  	s3 =	sld [smem:$0x3FAE]  }
0x31: {  	[smem:$0x3FB7] =	sst s10  }
0x32: {  	s10 =	sld [smem:$0x3FB5];
	_ =	sdelay $0x3  }
0x33: {  	p0 =	seq.s32 s10, $0x1;
	s10 =	sld [smem:$0x3FB7];
	_ =	sdelay $0x3  }
0x34: {  	[smem:$0x3FB7] =	sst s10  }
0x35: {  	s10 =	sld [smem:$0x3FB6];
	_ =	sdelay $0x3  }
0x36: {  	p1 =	seq.s32 s10, $0x1;
	s10 =	sld [smem:$0x3FB7];
	_ =	sdelay $0x3  }
0x37: {  	[smem:$0x3FB7] =	sst s10  }
0x38: {  	s10 =	sld [smem:$0x3FB8]  }
0x39: {  	_ = 	snop;
	(pc) =	sbr.ind lr, $3  }
0x3a: {  	_ = 	snop  }
0x3b: {  	_ = 	snop  }
0x3c: {  	p2 =	seq.s32 s10, $0x1;
	s10 =	sld [smem:$0x3FB7]  }
0x3d: {  	_ =	shalt  }
0x3e: {  	_ =	shalt  }
0x3f: {  	_ =	shalt  }
0x40: {  	_ =	shalt  }
0x41: {  	_ =	shalt  }
0x42: {  	_ =	shalt  }
0x43: {  	_ =	shalt  }
0x44: {  	_ =	shalt  }
0x45: {  	_ =	shalt  }
0x46: {  	_ =	shalt  }
0x47: {  	_ =	shalt  }
0x48: {  	_ =	shalt  }
0x49: {  	_ =	shalt  }
0x4a: {  	_ =	shalt  }
0x4b: {  	_ =	shalt  }
0x4c: {  	_ =	shalt  }
0x4d: {  	_ =	shalt  }
0x4e: {  	_ =	shalt  }
0x4f: {  	_ =	shalt  }
0x50: {  	_ =	shalt  }
0x51: {  	_ =	shalt  }
0x52: {  	_ =	shalt  }
0x53: {  	_ =	shalt  }
0x54: {  	_ =	shalt  }
0x55: {  	_ =	shalt  }
0x56: {  	_ =	shalt  }
0x57: {  	_ =	shalt  }
0x58: {  	_ =	shalt  }
0x59: {  	_ =	shalt  }
0x5a: {  	_ =	shalt  }
0x5b: {  	_ =	shalt  }
0x5c: {  	_ =	shalt  }
0x5d: {  	_ =	shalt  }
0x5e: {  	_ =	shalt  }
0x5f: {  	_ =	shalt  }
0x60: {  	_ =	shalt  }
0x61: {  	_ =	shalt  }
0x62: {  	_ =	shalt  }
0x63: {  	_ =	shalt  }
0x64: {  	_ =	shalt  }
0x65: {  	_ =	shalt  }
0x66: {  	_ =	shalt  }
0x67: {  	_ =	shalt  }
0x68: {  	_ =	shalt  }
0x69: {  	_ =	shalt  }
0x6a: {  	_ =	shalt  }
0x6b: {  	_ =	shalt  }
0x6c: {  	_ =	shalt  }
0x6d: {  	_ =	shalt  }
0x6e: {  	_ =	shalt  }
0x6f: {  	_ =	shalt  }
0x70: {  	_ =	shalt  }
0x71: {  	_ =	shalt  }
0x72: {  	_ =	shalt  }
0x73: {  	_ =	shalt  }
0x74: {  	_ =	shalt  }
0x75: {  	_ =	shalt  }
0x76: {  	_ =	shalt  }
0x77: {  	_ =	shalt  }
0x78: {  	_ =	shalt  }
0x79: {  	_ =	shalt  }
0x7a: {  	_ =	shalt  }
0x7b: {  	_ =	shalt  }
0x7c: {  	_ =	shalt  }
0x7d: {  	_ =	shalt  }
0x7e: {  	_ =	shalt  }
0x7f: {  	_ =	shalt  }
0x80: {  	_ =	shalt  }
0x81: {  	_ =	shalt  }
0x82: {  	_ =	shalt  }
0x83: {  	_ =	shalt  }
0x84: {  	_ =	shalt  }
0x85: {  	_ =	shalt  }
0x86: {  	_ =	shalt  }
0x87: {  	_ =	shalt  }
.Lfunc_end0:
.L_simem_size_0:
called_computation_lowered:
.L_overlay_start_0:
0x88: {  	s2 =	sld [smem:$0x3FD9]  }
0x89: {  	s3 =	sld [smem:$0x3FFE];
	_ =	sdelay $0x1  }
0x8a: {  	s1 =	srdreg.scid  }
0x8b: {  	s0 =	sand.u32 $0x1, s1  }
0x8c: {  	s17 =	sshll.u32 s0, $0xA;
	s2 =	sadd.s32 s3, s2  }
0x8d: {  	s2 =	sadd.s32 s2, s17  }
0x8e: {  	[smem:$0x3FC3] =	sst s2  }
0x8f: {  	_ = 	snop  }
0x90: {  	s2 =	sld [smem:$0x3FC9];
	(tm) =	ssettm $0x1  }
0x91: {  	s18 =	sld [smem:$0x3FFB];
	_ =	sdelay $0x3  }
0x92: {  	_ =	strace s18  }
0x93: {  	s3 =	sld [smem:$0x3FFC];
	_ =	sdelay $0x3  }
0x94: {  	_ =	strace s3  }
0x95: {  	s3 =	sld [smem:$0x3FFD];
	_ =	sdelay $0x3  }
0x96: {  	_ =	strace s3  }
0x97: {  	_ =	strace $0x8FFFFFFF  }
0x98: {  	s19 =	sld [smem:$0x3FDB];
	_ =	sdelay $0x1  }
0x99: {  	s4 =	simm.s32 $_scs_section_size  }
0x9a: {  	s5 =	simm.s32 $_size__tile_overlayer_lowered;
	s6 =	simm.s32 $_tile_overlayer_lowered  }
0x9b: {  	s22 =	simm.s32 $0x1BFF;
	s21 =	sshll.u32 s6, $0x1;
	s3 =	sadd.s32 s4, s19  }
0x9c: {  	s7 =	simm.s32 $0x0;
	s20 =	sshll.u32 s5, $0x1;
	s5 =	sadd.s32 s21, s3  }
0x9d: {  	[timem:s7], [sflag:s22] =	dma.local [hbm:s5], s20  }
0x9e: {  	_ =	swait.ge [sflag:s22], s20  }
0x9f: {  	s4 =	ssub.s32 $0x0, s20;
	[sflag:s22] =	ssyncset.done $0x0  }
0xa0: {  	[sflag:s22] =	ssyncadd.s32 s4;
	_ =	sdelay $0x1  }
0xa1: {  	s23 =	simm.s32 $0x1B8B  }
0xa2: {  	_ =	swait.ge [sflag:s23], $0x1  }
0xa3: {  	[sflag:s23] =	ssyncset.done $0x0  }
0xa4: {  	s25 =	simm.s32 $0x1B8E;
	s24 =	sld [smem:$0x3FFE];
	[sflag:s23] =	ssyncadd.s32 $0xFFFFFFFF  }
0xa5: {  	s26 =	simm.s32 $execute0_lowered;
	[smem:$0x3FD2] =	sst s25  }
0xa6: {  	s5 =	sshll.u32 s26, $0x1;
	_ =	strace $0x80000046;
	[dreg:$0x1] =	wrdreg $0xFFFFFFFF  }
0xa7: {  	s28 =	simm.s32 $_size_execute0_lowered;
	s3 =	sadd.s32 s3, s5;
	[dreg:$0x0] =	wrdreg $0x0  }
0xa8: {  	s5 =	sshll.u32 s28, $0x1;
	[dreg:$0x2] =	wrdreg s3  }
0xa9: {  	[dreg:$0x3] =	wrdreg s5  }
0xaa: {  	[dreg:$0x4] =	wrdreg $0xC0  }
0xab: {  	_ =	task [dreg:s7], $0x5FFFF  }
0xac: {  	[dreg:$0x1] =	wrdreg $0xFFFFFFFF  }
0xad: {  	[dreg:$0x0] =	wrdreg $0x60  }
0xae: {  	[dreg:$0x2] =	wrdreg s2  }
0xaf: {  	[dreg:$0x3] =	wrdreg s24  }
0xb0: {  	[dreg:$0x4] =	wrdreg $0x9  }
0xb1: {  	_ =	task.clear_ibuf [dreg:s7], $0x5FFFF;
	_ =	strace $0x90000046  }
0xb2: {  	s29 =	simm.s32 $0x9;
	_ =	strace $0x80000048  }
0xb3: {  	_ =	swait.ge [sflag:s29], $0x1  }
0xb4: {  	[sflag:s29] =	ssyncadd.s32 $0xFFFFFFFF  }
0xb5: {  	_ =	strace $0x90000048  }
0xb6: {  	_ =	sfence  }
0xb7: {  	s30 =	sld [smem:$0x0];
	_ =	sdelay $0x2  }
0xb8: {  	s31 =	sshll.u32 s1, $0xD;
	s1 =	sshrl.u32 s1, $0x2  }
0xb9: {  	s3 =	sand.u32 $0x4000, s31;
	s1 =	sadd.s32 s1, s30  }
0xba: {  	s0 =	sor.u32 s3, s0;
	s1 =	sshll.u32 s1, $0x11  }
0xbb: {  	s0 =	sor.u32 s1, s0  }
0xbc: {  	s0 =	sadd.s32 $0x8F2B, s0  }
0xbd: {  	[sflag:s0] =	ssyncadd.remote.s32 $0x1  }
0xbe: {  	_ =	sfence.sel $0xFFFF  }
0xbf: {  	[dreg:$0x0] =	wrdreg $0xFFFFFFFF;
	(pc) =	sbr.abs _section_cstart, $3  }
0xc0: {  	[dreg:$0x1] =	wrdreg $0xFFFFFFFF  }
0xc1: {  	_ =	task.clear_ibuf [dreg:s7], $0x2FFFF;
	_ =	strace $0x9FFFFFFF  }
0xc2: {  	(tm) =	ssettm $0x7FFFFFFF  }
0xc3: {  	_ =	shalt  }
tec
execute0_lowered:
.L_overlay_start_1:
0x0: {  	(tag) =	ssettag $0x1  }
0x1: {  	s0 =	srdreg.scid  }
0x2: {  	s1 =	rddreg [dreg:$0x0];
	s2 =	stileid.u32  }
0x3: {  	s6 =	rddreg [dreg:$0x1];
	s25 =	simm.s32 $0x10000;
	s8 =	simm.s32 $0x2  }
0x4: {  	s26 =	simm.s32 $0x10080;
	s19 =	simm.s32 $0x1800;
	s20 =	simm.s32 $0x2000  }
0x5: {  	s21 =	simm.s32 $0x2800;
	s28 =	simm.s32 $0x5800;
	s29 =	simm.s32 $0x6000  }
0x6: {  	s30 =	simm.s32 $0x6800;
	s31 =	simm.s32 $0x7000;
	s9 =	simm.s32 $0x8800  }
0x7: {  	s10 =	simm.s32 $0x9000;
	s11 =	simm.s32 $0x9800;
	s12 =	simm.s32 $0xA000  }
0x8: {  	s13 =	simm.s32 $0xA800;
	s14 =	simm.s32 $0xB000;
	s15 =	simm.s32 $0xB800  }
0x9: {  	s0 =	sand.u32 $0x1, s0;
	s3 =	sshll.u32 s2, $0x7;
	s2 =	simm.s32 $0x0  }
0xa: {  	s16 =	simm.s32 $0xC000;
	s4 =	sshll.u32 s0, $0x6;
	[smem:$0x7FF] =	sst s2  }
0xb: {  	s0 =	ssub.s32 $0x2, s0;
	_ =	strace $0x80000047;
	[dreg:$0x6] =	wrdreg s25  }
0xc: {  	s3 =	sor.u32 s4, s3;
	s22 =	sshrl.u32 s0, $0x1;
	[dreg:$0x7] =	wrdreg s26  }
0xd: {  	s25 =	simm.s32 $0x4800;
	s26 =	simm.s32 $0x5000;
	s4 =	sshrl.u32 s3, $0x3  }
0xe: {  	s5 =	sshll.u32 s3, $0x7;
	s3 =	sadd.s32 $0x10400, s6;
	s0 =	ssub.s32 s0, s22  }
0xf: {  	s22 =	simm.s32 $0x3000;
	s4 =	sadd.s32 s4, s6;
	s1 =	sadd.s32 s1, s5  }
0x10: {  	s5 =	sadd.s32 $0x10600, s6;
	s7 =	smax.u32 s0, $0x1;
	[dreg:$0x3] =	wrdreg s1  }
0x11: {  	v2 =	vlaneseq.u32;
	s23 =	sadd.s32 $0x10000, s4;
	s24 =	sadd.s32 $0x10200, s4;
	s4 =	sadd.s32 $0x10500, s6  }
0x12: {  	vm0 =	vmmov $0xffff;
	v1 =	vshrl.u32 v2, $0x3;
	s6 =	sadd.s32 $0x10700, s6;
	s1 =	simm.s32 $0x7800;
	[dreg:$0x4] =	wrdreg s23  }
0x13: {  	v0 =	vand.u32 $0x7, v2;
	v2 =	vor.u32 $0x8, v2;
	v1 =	vmul.u32 $0x8, v1;
	[dreg:$0x5] =	wrdreg s24;
	s23 =	simm.s32 $0x3800;
	s24 =	simm.s32 $0x4000  }
.LBB2_1:
0x14: {  	s17 =	rddreg [dreg:$0x3]  }
0x15: {  	[tilespmem:s2], [sflag:$0x2] =	stream.linear.gather [hbm4b:s17+s2], $0x10000, $0x38;
	[tilespmem:$0x10100] =	vst v63  }
0x16: {  	_ =	swait.ge [sflag:s8], $0x10000  }
0x17: {  	s0 =	rddreg [dreg:$0x4];
	[sflag:s8] =	ssyncset.done $0x0  }
0x18: {  	s18 =	rddreg [dreg:$0x6];
	[sflag:s8] =	ssyncadd.s32 $0xFFFF0000  }
0x19: {  	[tilespmem:s18], [sflag:$0x2] =	stream.linear.gather [hbm4b:s0+s2], $0x40, $0x38;
	[tilespmem:$0x10100] =	vst v63  }
0x1a: {  	_ =	swait.ge [sflag:s8], $0x40  }
0x1b: {  	s18 =	rddreg [dreg:$0x5];
	[sflag:s8] =	ssyncset.done $0x0  }
0x1c: {  	s0 =	rddreg [dreg:$0x7];
	[sflag:s8] =	ssyncadd.s32 $0xFFFFFFC0  }
0x1d: {  	[tilespmem:s0], [sflag:$0x2] =	stream.linear.gather [hbm4b:s18+s2], $0x40, $0x38;
	[tilespmem:$0x10100] =	vst v63  }
0x1e: {  	_ =	swait.ge [sflag:s8], $0x40  }
0x1f: {  	[sflag:s8] =	ssyncset.done $0x0  }
0x20: {  	[sflag:s8] =	ssyncadd.s32 $0xFFFFFFC0  }
0x21: {  	v3 =	vld [tilespmem:$0x10000];
	_ =	sdelay $0x4  }
0x22: {  	v4 =	vshll.u32 v3, $0x3  }
0x23: {  	v3 =	vand.u32 $0x7, v3;
	v4 =	vand.u32 $0xFFFFFFC0, v4  }
0x24: {  	v3 =	vor.u32 v3, v4  }
0x25: {  	v4 =	vperm.xlane v3, v0;
	_ =	sdelay $0x1  }
0x26: {  	v4 =	vadd.s32 v1, v4;
	_ =	sdelay $0x4  }
0x27: {  	[hbm4b:s3+s2] =	stream.indirect_vreg.scatter [tilespmem:s2], [sflag:$0x1], $0x80, v4, vm0, $0xb8;
	[tilespmem:$0x10100] =	vst v63  }
0x28: {  	s17 =	simm.s32 $0x800;
	v3 =	vperm.xlane v3, v2  }
0x29: {  	[hbm4b:s4+s2] =	stream.indirect_vreg.scatter [tilespmem:s17], [sflag:$0x1], $0x80, v4, vm0, $0xb8;
	[tilespmem:$0x10100] =	vst v63  }
0x2a: {  	s18 =	simm.s32 $0x1000;
	v3 =	vadd.s32 v1, v3  }
0x2b: {  	[hbm4b:s5+s2] =	stream.indirect_vreg.scatter [tilespmem:s18], [sflag:$0x1], $0x80, v4, vm0, $0xb8;
	[tilespmem:$0x10100] =	vst v63  }
0x2c: {  	_ = 	snop  }
0x2d: {  	[hbm4b:s6+s2] =	stream.indirect_vreg.scatter [tilespmem:s19], [sflag:$0x1], $0x80, v4, vm0, $0xb8;
	[tilespmem:$0x10100] =	vst v63  }
0x2e: {  	_ = 	snop  }
0x2f: {  	[hbm4b:s3+s2] =	stream.indirect_vreg.scatter [tilespmem:s20], [sflag:$0x1], $0x80, v3, vm0, $0xb8;
	[tilespmem:$0x10100] =	vst v63  }
0x30: {  	_ = 	snop  }
0x31: {  	[hbm4b:s4+s2] =	stream.indirect_vreg.scatter [tilespmem:s21], [sflag:$0x1], $0x80, v3, vm0, $0xb8;
	[tilespmem:$0x10100] =	vst v63  }
0x32: {  	_ = 	snop  }
0x33: {  	[hbm4b:s5+s2] =	stream.indirect_vreg.scatter [tilespmem:s22], [sflag:$0x1], $0x80, v3, vm0, $0xb8;
	[tilespmem:$0x10100] =	vst v63  }
0x34: {  	_ = 	snop  }
0x35: {  	[hbm4b:s6+s2] =	stream.indirect_vreg.scatter [tilespmem:s23], [sflag:$0x1], $0x80, v3, vm0, $0xb8;
	[tilespmem:$0x10100] =	vst v63  }
0x36: {  	v3 =	vld [tilespmem:$0x10010];
	_ =	sdelay $0x4  }
0x37: {  	v57 =	vshll.u32 v3, $0x3  }
0x38: {  	v3 =	vand.u32 $0x7, v3;
	v4 =	vand.u32 $0xFFFFFFC0, v57  }
0x39: {  	v3 =	vor.u32 v3, v4  }
0x3a: {  	v4 =	vperm.xlane v3, v0;
	_ =	sdelay $0x1  }
0x3b: {  	v4 =	vadd.s32 v1, v4;
	_ =	sdelay $0x4  }
0x3c: {  	[hbm4b:s3+s2] =	stream.indirect_vreg.scatter [tilespmem:s24], [sflag:$0x1], $0x80, v4, vm0, $0xb8;
	[tilespmem:$0x10100] =	vst v63  }
0x3d: {  	v3 =	vperm.xlane v3, v2  }
0x3e: {  	[hbm4b:s4+s2] =	stream.indirect_vreg.scatter [tilespmem:s25], [sflag:$0x1], $0x80, v4, vm0, $0xb8;
	[tilespmem:$0x10100] =	vst v63  }
0x3f: {  	v3 =	vadd.s32 v1, v3  }
0x40: {  	[hbm4b:s5+s2] =	stream.indirect_vreg.scatter [tilespmem:s26], [sflag:$0x1], $0x80, v4, vm0, $0xb8;
	[tilespmem:$0x10100] =	vst v63  }
0x41: {  	_ = 	snop  }
0x42: {  	[hbm4b:s6+s2] =	stream.indirect_vreg.scatter [tilespmem:s28], [sflag:$0x1], $0x80, v4, vm0, $0xb8;
	[tilespmem:$0x10100] =	vst v63  }
0x43: {  	_ = 	snop  }
0x44: {  	[hbm4b:s3+s2] =	stream.indirect_vreg.scatter [tilespmem:s29], [sflag:$0x1], $0x80, v3, vm0, $0xb8;
	[tilespmem:$0x10100] =	vst v63  }
0x45: {  	_ = 	snop  }
0x46: {  	[hbm4b:s4+s2] =	stream.indirect_vreg.scatter [tilespmem:s30], [sflag:$0x1], $0x80, v3, vm0, $0xb8;
	[tilespmem:$0x10100] =	vst v63  }
0x47: {  	_ = 	snop  }
0x48: {  	[hbm4b:s5+s2] =	stream.indirect_vreg.scatter [tilespmem:s31], [sflag:$0x1], $0x80, v3, vm0, $0xb8;
	[tilespmem:$0x10100] =	vst v63  }
0x49: {  	_ = 	snop  }
0x4a: {  	[hbm4b:s6+s2] =	stream.indirect_vreg.scatter [tilespmem:s1], [sflag:$0x1], $0x80, v3, vm0, $0xb8;
	[tilespmem:$0x10100] =	vst v63  }
0x4b: {  	v3 =	vld [tilespmem:$0x10020];
	_ =	sdelay $0x4  }
0x4c: {  	v58 =	vshll.u32 v3, $0x3  }
0x4d: {  	v3 =	vand.u32 $0x7, v3;
	v4 =	vand.u32 $0xFFFFFFC0, v58  }
0x4e: {  	v3 =	vor.u32 v3, v4  }
0x4f: {  	v4 =	vperm.xlane v3, v0;
	_ =	sdelay $0x1  }
0x50: {  	v4 =	vadd.s32 v1, v4;
	_ =	sdelay $0x3  }
0x51: {  	s0 =	simm.s32 $0x8000  }
0x52: {  	[hbm4b:s3+s2] =	stream.indirect_vreg.scatter [tilespmem:s0], [sflag:$0x1], $0x80, v4, vm0, $0xb8;
	[tilespmem:$0x10100] =	vst v63  }
0x53: {  	v3 =	vperm.xlane v3, v2  }
0x54: {  	[hbm4b:s4+s2] =	stream.indirect_vreg.scatter [tilespmem:s9], [sflag:$0x1], $0x80, v4, vm0, $0xb8;
	[tilespmem:$0x10100] =	vst v63  }
0x55: {  	v3 =	vadd.s32 v1, v3  }
0x56: {  	[hbm4b:s5+s2] =	stream.indirect_vreg.scatter [tilespmem:s10], [sflag:$0x1], $0x80, v4, vm0, $0xb8;
	[tilespmem:$0x10100] =	vst v63  }
0x57: {  	_ = 	snop  }
0x58: {  	[hbm4b:s6+s2] =	stream.indirect_vreg.scatter [tilespmem:s11], [sflag:$0x1], $0x80, v4, vm0, $0xb8;
	[tilespmem:$0x10100] =	vst v63  }
0x59: {  	_ = 	snop  }
0x5a: {  	[hbm4b:s3+s2] =	stream.indirect_vreg.scatter [tilespmem:s12], [sflag:$0x1], $0x80, v3, vm0, $0xb8;
	[tilespmem:$0x10100] =	vst v63  }
0x5b: {  	_ = 	snop  }
0x5c: {  	[hbm4b:s4+s2] =	stream.indirect_vreg.scatter [tilespmem:s13], [sflag:$0x1], $0x80, v3, vm0, $0xb8;
	[tilespmem:$0x10100] =	vst v63  }
0x5d: {  	_ = 	snop  }
0x5e: {  	[hbm4b:s5+s2] =	stream.indirect_vreg.scatter [tilespmem:s14], [sflag:$0x1], $0x80, v3, vm0, $0xb8;
	[tilespmem:$0x10100] =	vst v63  }
0x5f: {  	_ = 	snop  }
0x60: {  	[hbm4b:s6+s2] =	stream.indirect_vreg.scatter [tilespmem:s15], [sflag:$0x1], $0x80, v3, vm0, $0xb8;
	[tilespmem:$0x10100] =	vst v63  }
0x61: {  	v3 =	vld [tilespmem:$0x10030];
	_ =	sdelay $0x4  }
0x62: {  	v59 =	vshll.u32 v3, $0x3  }
0x63: {  	v3 =	vand.u32 $0x7, v3;
	v4 =	vand.u32 $0xFFFFFFC0, v59  }
0x64: {  	v3 =	vor.u32 v3, v4  }
0x65: {  	v4 =	vperm.xlane v3, v0;
	_ =	sdelay $0x1  }
0x66: {  	v4 =	vadd.s32 v1, v4;
	_ =	sdelay $0x4  }
0x67: {  	[hbm4b:s3+s2] =	stream.indirect_vreg.scatter [tilespmem:s16], [sflag:$0x1], $0x80, v4, vm0, $0xb8;
	[tilespmem:$0x10100] =	vst v63  }
0x68: {  	s0 =	simm.s32 $0xC800;
	v3 =	vperm.xlane v3, v2  }
0x69: {  	[hbm4b:s4+s2] =	stream.indirect_vreg.scatter [tilespmem:s0], [sflag:$0x1], $0x80, v4, vm0, $0xb8;
	[tilespmem:$0x10100] =	vst v63  }
0x6a: {  	v3 =	vadd.s32 v1, v3;
	s0 =	simm.s32 $0xD000  }
0x6b: {  	[hbm4b:s5+s2] =	stream.indirect_vreg.scatter [tilespmem:s0], [sflag:$0x1], $0x80, v4, vm0, $0xb8;
	[tilespmem:$0x10100] =	vst v63  }
0x6c: {  	s0 =	simm.s32 $0xD800  }
0x6d: {  	[hbm4b:s6+s2] =	stream.indirect_vreg.scatter [tilespmem:s0], [sflag:$0x1], $0x80, v4, vm0, $0xb8;
	[tilespmem:$0x10100] =	vst v63  }
0x6e: {  	s0 =	simm.s32 $0xE000  }
0x6f: {  	[hbm4b:s3+s2] =	stream.indirect_vreg.scatter [tilespmem:s0], [sflag:$0x1], $0x80, v3, vm0, $0xb8;
	[tilespmem:$0x10100] =	vst v63  }
0x70: {  	s0 =	simm.s32 $0xE800  }
0x71: {  	[hbm4b:s4+s2] =	stream.indirect_vreg.scatter [tilespmem:s0], [sflag:$0x1], $0x80, v3, vm0, $0xb8;
	[tilespmem:$0x10100] =	vst v63  }
0x72: {  	s0 =	simm.s32 $0xF000  }
0x73: {  	[hbm4b:s5+s2] =	stream.indirect_vreg.scatter [tilespmem:s0], [sflag:$0x1], $0x80, v3, vm0, $0xb8;
	[tilespmem:$0x10100] =	vst v63  }
0x74: {  	s0 =	simm.s32 $0xF800  }
0x75: {  	[hbm4b:s6+s2] =	stream.indirect_vreg.scatter [tilespmem:s0], [sflag:$0x1], $0x80, v3, vm0, $0xb8;
	[tilespmem:$0x10100] =	vst v63  }
0x76: {  	v3 =	vld [tilespmem:$0x10080];
	_ =	sdelay $0x4  }
0x77: {  	v60 =	vshll.u32 v3, $0x3  }
0x78: {  	v3 =	vand.u32 $0x7, v3;
	v4 =	vand.u32 $0xFFFFFFC0, v60  }
0x79: {  	v3 =	vor.u32 v3, v4  }
0x7a: {  	v4 =	vperm.xlane v3, v0;
	_ =	sdelay $0x1  }
0x7b: {  	v4 =	vadd.s32 v1, v4;
	_ =	sdelay $0x4  }
0x7c: {  	[hbm4b:s3+s2] =	stream.indirect_vreg.scatter [tilespmem:s2], [sflag:$0x1], $0x80, v4, vm0, $0xb8;
	[tilespmem:$0x10100] =	vst v63  }
0x7d: {  	v3 =	vperm.xlane v3, v2  }
0x7e: {  	[hbm4b:s4+s2] =	stream.indirect_vreg.scatter [tilespmem:s17], [sflag:$0x1], $0x80, v4, vm0, $0xb8;
	[tilespmem:$0x10100] =	vst v63  }
0x7f: {  	v3 =	vadd.s32 v1, v3  }
0x80: {  	[hbm4b:s5+s2] =	stream.indirect_vreg.scatter [tilespmem:s18], [sflag:$0x1], $0x80, v4, vm0, $0xb8;
	[tilespmem:$0x10100] =	vst v63  }
0x81: {  	_ = 	snop  }
0x82: {  	[hbm4b:s6+s2] =	stream.indirect_vreg.scatter [tilespmem:s19], [sflag:$0x1], $0x80, v4, vm0, $0xb8;
	[tilespmem:$0x10100] =	vst v63  }
0x83: {  	_ = 	snop  }
0x84: {  	[hbm4b:s3+s2] =	stream.indirect_vreg.scatter [tilespmem:s20], [sflag:$0x1], $0x80, v3, vm0, $0xb8;
	[tilespmem:$0x10100] =	vst v63  }
0x85: {  	_ = 	snop  }
0x86: {  	[hbm4b:s4+s2] =	stream.indirect_vreg.scatter [tilespmem:s21], [sflag:$0x1], $0x80, v3, vm0, $0xb8;
	[tilespmem:$0x10100] =	vst v63  }
0x87: {  	_ = 	snop  }
0x88: {  	[hbm4b:s5+s2] =	stream.indirect_vreg.scatter [tilespmem:s22], [sflag:$0x1], $0x80, v3, vm0, $0xb8;
	[tilespmem:$0x10100] =	vst v63  }
0x89: {  	_ = 	snop  }
0x8a: {  	[hbm4b:s6+s2] =	stream.indirect_vreg.scatter [tilespmem:s23], [sflag:$0x1], $0x80, v3, vm0, $0xb8;
	[tilespmem:$0x10100] =	vst v63  }
0x8b: {  	v3 =	vld [tilespmem:$0x10090];
	_ =	sdelay $0x4  }
0x8c: {  	v61 =	vshll.u32 v3, $0x3  }
0x8d: {  	v3 =	vand.u32 $0x7, v3;
	v4 =	vand.u32 $0xFFFFFFC0, v61  }
0x8e: {  	v3 =	vor.u32 v3, v4  }
0x8f: {  	v4 =	vperm.xlane v3, v0;
	_ =	sdelay $0x1  }
0x90: {  	v4 =	vadd.s32 v1, v4;
	_ =	sdelay $0x4  }
0x91: {  	[hbm4b:s3+s2] =	stream.indirect_vreg.scatter [tilespmem:s24], [sflag:$0x1], $0x80, v4, vm0, $0xb8;
	[tilespmem:$0x10100] =	vst v63  }
0x92: {  	v3 =	vperm.xlane v3, v2  }
0x93: {  	[hbm4b:s4+s2] =	stream.indirect_vreg.scatter [tilespmem:s25], [sflag:$0x1], $0x80, v4, vm0, $0xb8;
	[tilespmem:$0x10100] =	vst v63  }
0x94: {  	v3 =	vadd.s32 v1, v3  }
0x95: {  	[hbm4b:s5+s2] =	stream.indirect_vreg.scatter [tilespmem:s26], [sflag:$0x1], $0x80, v4, vm0, $0xb8;
	[tilespmem:$0x10100] =	vst v63  }
0x96: {  	_ = 	snop  }
0x97: {  	[hbm4b:s6+s2] =	stream.indirect_vreg.scatter [tilespmem:s28], [sflag:$0x1], $0x80, v4, vm0, $0xb8;
	[tilespmem:$0x10100] =	vst v63  }
0x98: {  	_ = 	snop  }
0x99: {  	[hbm4b:s3+s2] =	stream.indirect_vreg.scatter [tilespmem:s29], [sflag:$0x1], $0x80, v3, vm0, $0xb8;
	[tilespmem:$0x10100] =	vst v63  }
0x9a: {  	_ = 	snop  }
0x9b: {  	[hbm4b:s4+s2] =	stream.indirect_vreg.scatter [tilespmem:s30], [sflag:$0x1], $0x80, v3, vm0, $0xb8;
	[tilespmem:$0x10100] =	vst v63  }
0x9c: {  	_ = 	snop  }
0x9d: {  	[hbm4b:s5+s2] =	stream.indirect_vreg.scatter [tilespmem:s31], [sflag:$0x1], $0x80, v3, vm0, $0xb8;
	[tilespmem:$0x10100] =	vst v63  }
0x9e: {  	_ = 	snop  }
0x9f: {  	[hbm4b:s6+s2] =	stream.indirect_vreg.scatter [tilespmem:s1], [sflag:$0x1], $0x80, v3, vm0, $0xb8;
	[tilespmem:$0x10100] =	vst v63  }
0xa0: {  	v3 =	vld [tilespmem:$0x100A0];
	_ =	sdelay $0x4  }
0xa1: {  	v62 =	vshll.u32 v3, $0x3  }
0xa2: {  	v3 =	vand.u32 $0x7, v3;
	v4 =	vand.u32 $0xFFFFFFC0, v62  }
0xa3: {  	v3 =	vor.u32 v3, v4  }
0xa4: {  	v4 =	vperm.xlane v3, v0;
	_ =	sdelay $0x1  }
0xa5: {  	v4 =	vadd.s32 v1, v4;
	_ =	sdelay $0x3  }
0xa6: {  	s18 =	simm.s32 $0x8000  }
0xa7: {  	[hbm4b:s3+s2] =	stream.indirect_vreg.scatter [tilespmem:s18], [sflag:$0x1], $0x80, v4, vm0, $0xb8;
	[tilespmem:$0x10100] =	vst v63  }
0xa8: {  	v3 =	vperm.xlane v3, v2  }
0xa9: {  	[hbm4b:s4+s2] =	stream.indirect_vreg.scatter [tilespmem:s9], [sflag:$0x1], $0x80, v4, vm0, $0xb8;
	[tilespmem:$0x10100] =	vst v63  }
0xaa: {  	v3 =	vadd.s32 v1, v3  }
0xab: {  	[hbm4b:s5+s2] =	stream.indirect_vreg.scatter [tilespmem:s10], [sflag:$0x1], $0x80, v4, vm0, $0xb8;
	[tilespmem:$0x10100] =	vst v63  }
0xac: {  	_ = 	snop  }
0xad: {  	[hbm4b:s6+s2] =	stream.indirect_vreg.scatter [tilespmem:s11], [sflag:$0x1], $0x80, v4, vm0, $0xb8;
	[tilespmem:$0x10100] =	vst v63  }
0xae: {  	_ = 	snop  }
0xaf: {  	[hbm4b:s3+s2] =	stream.indirect_vreg.scatter [tilespmem:s12], [sflag:$0x1], $0x80, v3, vm0, $0xb8;
	[tilespmem:$0x10100] =	vst v63  }
0xb0: {  	_ = 	snop  }
0xb1: {  	[hbm4b:s4+s2] =	stream.indirect_vreg.scatter [tilespmem:s13], [sflag:$0x1], $0x80, v3, vm0, $0xb8;
	[tilespmem:$0x10100] =	vst v63  }
0xb2: {  	_ = 	snop  }
0xb3: {  	[hbm4b:s5+s2] =	stream.indirect_vreg.scatter [tilespmem:s14], [sflag:$0x1], $0x80, v3, vm0, $0xb8;
	[tilespmem:$0x10100] =	vst v63  }
0xb4: {  	_ = 	snop  }
0xb5: {  	[hbm4b:s6+s2] =	stream.indirect_vreg.scatter [tilespmem:s15], [sflag:$0x1], $0x80, v3, vm0, $0xb8;
	[tilespmem:$0x10100] =	vst v63  }
0xb6: {  	v3 =	vld [tilespmem:$0x100B0];
	_ =	sdelay $0x4  }
0xb7: {  	v63 =	vshll.u32 v3, $0x3  }
0xb8: {  	v3 =	vand.u32 $0x7, v3;
	v4 =	vand.u32 $0xFFFFFFC0, v63  }
0xb9: {  	v3 =	vor.u32 v3, v4  }
0xba: {  	v4 =	vperm.xlane v3, v0;
	_ =	sdelay $0x1  }
0xbb: {  	v4 =	vadd.s32 v1, v4;
	_ =	sdelay $0x4  }
0xbc: {  	[hbm4b:s3+s2] =	stream.indirect_vreg.scatter [tilespmem:s16], [sflag:$0x1], $0x80, v4, vm0, $0xb8;
	[tilespmem:$0x10100] =	vst v63  }
0xbd: {  	s17 =	simm.s32 $0xC800;
	v3 =	vperm.xlane v3, v2  }
0xbe: {  	[hbm4b:s4+s2] =	stream.indirect_vreg.scatter [tilespmem:s17], [sflag:$0x1], $0x80, v4, vm0, $0xb8;
	[tilespmem:$0x10100] =	vst v63  }
0xbf: {  	s18 =	simm.s32 $0xD000;
	v3 =	vadd.s32 v1, v3  }
0xc0: {  	[hbm4b:s5+s2] =	stream.indirect_vreg.scatter [tilespmem:s18], [sflag:$0x1], $0x80, v4, vm0, $0xb8;
	[tilespmem:$0x10100] =	vst v63  }
0xc1: {  	s17 =	simm.s32 $0xD800  }
0xc2: {  	[hbm4b:s6+s2] =	stream.indirect_vreg.scatter [tilespmem:s17], [sflag:$0x1], $0x80, v4, vm0, $0xb8;
	[tilespmem:$0x10100] =	vst v63  }
0xc3: {  	s18 =	simm.s32 $0xE000  }
0xc4: {  	[hbm4b:s3+s2] =	stream.indirect_vreg.scatter [tilespmem:s18], [sflag:$0x1], $0x80, v3, vm0, $0xb8;
	[tilespmem:$0x10100] =	vst v63  }
0xc5: {  	s17 =	simm.s32 $0xE800  }
0xc6: {  	[hbm4b:s4+s2] =	stream.indirect_vreg.scatter [tilespmem:s17], [sflag:$0x1], $0x80, v3, vm0, $0xb8;
	[tilespmem:$0x10100] =	vst v63  }
0xc7: {  	s18 =	simm.s32 $0xF000  }
0xc8: {  	[hbm4b:s5+s2] =	stream.indirect_vreg.scatter [tilespmem:s18], [sflag:$0x1], $0x80, v3, vm0, $0xb8;
	[tilespmem:$0x10100] =	vst v63  }
0xc9: {  	s17 =	simm.s32 $0xF800;
	s18 =	simm.s32 $0x1  }
0xca: {  	[hbm4b:s6+s2] =	stream.indirect_vreg.scatter [tilespmem:s17], [sflag:$0x1], $0x80, v3, vm0, $0xb8;
	[tilespmem:$0x10100] =	vst v63  }
0xcb: {  	p0 =	sne.s32 s7, $0x1;
	_ =	swait.ge [sflag:s18], $0x10000  }
.Ltmp0:
0xcc: {  	[sflag:s18] =	ssyncset.done $0x0;
	(pc) =	sbr.rel @p0 .LBB2_1-.Ltmp0, $4  }
0xcd: {  	[sflag:s18] =	ssyncadd.s32 $0xFFFF0000  }
0xce: {  	_ =	swait.ge [sflag:s18], $0x10000  }
0xcf: {  	[sflag:s18] =	ssyncset.done $0x0  }
0xd0: {  	s7 =	sadd.s32 $0xFFFFFFFF, s7;
	[sflag:s18] =	ssyncadd.s32 $0xFFFF0000  }
0xd1: {  	_ =	sfence.sel $0x180000  }
0xd2: {  	[bflag:$0x0] =	sbarrier.arrive $0xFFFF  }
0xd3: {  	_ =	strace $0x90000047  }
0xd4: {  	s0 =	stileid.u32;
	[bflag:$0x2] =	sbarrier.arrive $0xFFFF  }
0xd5: {  	p0 =	sne.s32 s0, $0x0;
	s0 =	rddreg [dreg:$0x2]  }
0xd6: {  	s0 =	sadd.s32 @!p0 $0x100000, s0  }
0xd7: {  	[sflag:s0] =	ssyncadd.tile.s32 @!p0 $0x1;
	_ =	shalt  }
.Lfunc_end2:
_tile_overlayer_lowered:
.L_overlay_start_2:
0xd8: {  	(tag) =	ssettag $0x2  }
0xd9: {  	s0 =	rddreg [dreg:$0x0];
	s2 =	stileid.u32  }
0xda: {  	s1 =	rddreg [dreg:$0x1];
	p0 =	sne.s32 s2, $0x0  }
0xdb: {  	s3 =	rddreg [dreg:$0x2];
	[bflag:$0x3] =	sbarrier.arrive $0xFFFF;
	s2 =	simm.s32 @!p0 $0x1C02  }
0xdc: {  	[timem:s3], [sflag:s2] =	dma.local @!p0 [hbm:s0], s1  }
0xdd: {  	s0 =	simm.s32 @!p0 $0x2  }
0xde: {  	_ =	swait.ge @!p0 [sflag:s0], s1  }
0xdf: {  	s1 =	ssub.s32 @!p0 $0x0, s1;
	[sflag:s0] =	ssyncset.done @!p0 $0x0  }
0xe0: {  	[sflag:s0] =	ssyncadd.s32 @!p0 s1  }
0xe1: {  	[bflag:$0x3] =	sbarrier.arrive $0xFFFF  }
0xe2: {  	_ =	shalt  }

// kernel: kernel.9.cloned.1.call-start
scs
__scs_entry_jumppad:
0x0: {  	(pc) =	sbr.rel $0x88, $3  }
0x1: {  	(tag) =	ssettag $0x0;
	lr =	simm.s32 $0x1  }
0x2: {  	[smem:$0x3F9C] =	sst lr;
	_ =	strace $0xD0000000  }
0x3: {  	_ = 	snop  }
0x4: {  	_ = 	snop  }
0x5: {  	_ = 	snop  }
0x6: {  	_ = 	snop  }
0x7: {  	_ = 	snop  }
__scs_overlays_trampoline_lowered:
0x8: {  	[smem:$0x3FAB] =	sst s0  }
0x9: {  	[smem:$0x3FAC] =	sst s1  }
0xa: {  	[smem:$0x3FAD] =	sst s2  }
0xb: {  	[smem:$0x3FAE] =	sst s3  }
0xc: {  	[smem:$0x3FAF] =	sst s4  }
0xd: {  	[smem:$0x3FB0] =	sst s5  }
0xe: {  	[smem:$0x3FB1] =	sst s6  }
0xf: {  	[smem:$0x3FB2] =	sst s7  }
0x10: {  	[smem:$0x3FB3] =	sst s8  }
0x11: {  	[smem:$0x3FB4] =	sst s9;
	s0 =	simm.s32 @!p0 $0x0  }
0x12: {  	s1 =	sld [smem:$0x3F9A];
	s0 =	simm.s32 @p0 $0x1  }
0x13: {  	[smem:$0x3FB5] =	sst s0;
	s0 =	simm.s32 @!p1 $0x0  }
0x14: {  	s2 =	sld [smem:$0x3F99];
	s0 =	simm.s32 @p1 $0x1  }
0x15: {  	[smem:$0x3FB6] =	sst s0;
	s0 =	simm.s32 @!p2 $0x0  }
0x16: {  	s3 =	sld [smem:$0x3FDB];
	s0 =	simm.s32 @p2 $0x1  }
0x17: {  	s4 =	simm.s32 $0x1BF5;
	[smem:$0x3FB8] =	sst s0  }
0x18: {  	s0 =	sld [smem:$0x3F9B];
	_ =	swait.ge [sflag:s4], $0x0  }
0x19: {  	s7 =	sld [smem:$0x3F9C]  }
0x1a: {  	s8 =	sadd.s32 $0xFFFFE003, lr  }
0x1b: {  	s9 =	sadd.s32 $0xFFFFFEF7, lr;
	s5 =	simm.s32 $0xFFFFFFFF;
	p2 =	slt.u32 s8, $0xFFFFF086  }
0x1c: {  	p1 =	slt.u32 s9, $0xF7A;
	s5 =	simm.s32 @!p2 $0x0  }
0x1d: {  	s5 =	simm.s32 @p1 $0x1;
	p0 =	seq.s32 s7, s2  }
0x1e: {  	s7 =	smul.u32 @!p0 $0xF7A, s2;
	p2 =	seq.s32 @!p0 s5, $0x0  }
0x1f: {  	s9 =	smul.u32 $0xF7A, s1;
	s8 =	simm.s32 @!p0 $0x1BF5;
	p2 =	por !p2, p0  }
0x20: {  	[sflag:s8] =	ssyncset.s32 @!p0 $0xFFFFF086;
	s6 =	sadd.s32 @!p0 s3, s7;
	s7 =	simm.s32 @!p0 $0x108  }
0x21: {  	s3 =	sadd.s32 s3, s9;
	s6 =	sadd.s32 @!p0 $0x88, s6;
	s7 =	simm.s32 @p2 $0x1082  }
0x22: {  	[simem:s7], [sflag:s8] =	dma.local @!p0 [hbm:s6], $0xF7A  }
0x23: {  	s9 =	sor.u32 $0xD0000000, s2;
	s6 =	simm.s32 $0x108;
	_ =	swait.ge @!p0 [sflag:s8], $0x0  }
0x24: {  	s3 =	sadd.s32 $0x88, s3;
	s6 =	simm.s32 @!p1 $0x1082;
	[sflag:s4] =	ssyncset.s32 $0xFFFFF086  }
0x25: {  	[simem:s6], [sflag:s4] =	dma.local [hbm:s3], $0xF7A  }
0x26: {  	[smem:$0x3F9C] =	sst s1;
	(tag) =	ssettag s2;
	_ =	strace s9  }
0x27: {  	s1 =	sld [smem:$0x3FAC]  }
0x28: {  	s2 =	sld [smem:$0x3FAD]  }
0x29: {  	s4 =	sld [smem:$0x3FAF]  }
0x2a: {  	p0 =	seq.s32 s5, $0x0;
	s5 =	sld [smem:$0x3FB0]  }
0x2b: {  	s6 =	sld [smem:$0x3FB1]  }
0x2c: {  	s7 =	sld [smem:$0x3FB2]  }
0x2d: {  	s3 =	simm.s32 $0x108;
	s8 =	sld [smem:$0x3FB3]  }
0x2e: {  	s3 =	simm.s32 @!p0 $0x1082;
	s9 =	sld [smem:$0x3FB4]  }
0x2f: {  	lr =	sadd.s32 s0, s3;
	s0 =	sld [smem:$0x3FAB]  }
0x30: {  	s3 =	sld [smem:$0x3FAE]  }
0x31: {  	[smem:$0x3FB7] =	sst s10  }
0x32: {  	s10 =	sld [smem:$0x3FB5];
	_ =	sdelay $0x3  }
0x33: {  	p0 =	seq.s32 s10, $0x1;
	s10 =	sld [smem:$0x3FB7];
	_ =	sdelay $0x3  }
0x34: {  	[smem:$0x3FB7] =	sst s10  }
0x35: {  	s10 =	sld [smem:$0x3FB6];
	_ =	sdelay $0x3  }
0x36: {  	p1 =	seq.s32 s10, $0x1;
	s10 =	sld [smem:$0x3FB7];
	_ =	sdelay $0x3  }
0x37: {  	[smem:$0x3FB7] =	sst s10  }
0x38: {  	s10 =	sld [smem:$0x3FB8]  }
0x39: {  	_ = 	snop;
	(pc) =	sbr.ind lr, $3  }
0x3a: {  	_ = 	snop  }
0x3b: {  	_ = 	snop  }
0x3c: {  	p2 =	seq.s32 s10, $0x1;
	s10 =	sld [smem:$0x3FB7]  }
0x3d: {  	_ =	shalt  }
0x3e: {  	_ =	shalt  }
0x3f: {  	_ =	shalt  }
0x40: {  	_ =	shalt  }
0x41: {  	_ =	shalt  }
0x42: {  	_ =	shalt  }
0x43: {  	_ =	shalt  }
0x44: {  	_ =	shalt  }
0x45: {  	_ =	shalt  }
0x46: {  	_ =	shalt  }
0x47: {  	_ =	shalt  }
0x48: {  	_ =	shalt  }
0x49: {  	_ =	shalt  }
0x4a: {  	_ =	shalt  }
0x4b: {  	_ =	shalt  }
0x4c: {  	_ =	shalt  }
0x4d: {  	_ =	shalt  }
0x4e: {  	_ =	shalt  }
0x4f: {  	_ =	shalt  }
0x50: {  	_ =	shalt  }
0x51: {  	_ =	shalt  }
0x52: {  	_ =	shalt  }
0x53: {  	_ =	shalt  }
0x54: {  	_ =	shalt  }
0x55: {  	_ =	shalt  }
0x56: {  	_ =	shalt  }
0x57: {  	_ =	shalt  }
0x58: {  	_ =	shalt  }
0x59: {  	_ =	shalt  }
0x5a: {  	_ =	shalt  }
0x5b: {  	_ =	shalt  }
0x5c: {  	_ =	shalt  }
0x5d: {  	_ =	shalt  }
0x5e: {  	_ =	shalt  }
0x5f: {  	_ =	shalt  }
0x60: {  	_ =	shalt  }
0x61: {  	_ =	shalt  }
0x62: {  	_ =	shalt  }
0x63: {  	_ =	shalt  }
0x64: {  	_ =	shalt  }
0x65: {  	_ =	shalt  }
0x66: {  	_ =	shalt  }
0x67: {  	_ =	shalt  }
0x68: {  	_ =	shalt  }
0x69: {  	_ =	shalt  }
0x6a: {  	_ =	shalt  }
0x6b: {  	_ =	shalt  }
0x6c: {  	_ =	shalt  }
0x6d: {  	_ =	shalt  }
0x6e: {  	_ =	shalt  }
0x6f: {  	_ =	shalt  }
0x70: {  	_ =	shalt  }
0x71: {  	_ =	shalt  }
0x72: {  	_ =	shalt  }
0x73: {  	_ =	shalt  }
0x74: {  	_ =	shalt  }
0x75: {  	_ =	shalt  }
0x76: {  	_ =	shalt  }
0x77: {  	_ =	shalt  }
0x78: {  	_ =	shalt  }
0x79: {  	_ =	shalt  }
0x7a: {  	_ =	shalt  }
0x7b: {  	_ =	shalt  }
0x7c: {  	_ =	shalt  }
0x7d: {  	_ =	shalt  }
0x7e: {  	_ =	shalt  }
0x7f: {  	_ =	shalt  }
0x80: {  	_ =	shalt  }
0x81: {  	_ =	shalt  }
0x82: {  	_ =	shalt  }
0x83: {  	_ =	shalt  }
0x84: {  	_ =	shalt  }
0x85: {  	_ =	shalt  }
0x86: {  	_ =	shalt  }
0x87: {  	_ =	shalt  }
.Lfunc_end0:
.L_simem_size_0:
called_computation.1_lowered:
.L_overlay_start_0:
0x88: {  	s2 =	sld [smem:$0x3FD9]  }
0x89: {  	s3 =	sld [smem:$0x3FFE];
	_ =	sdelay $0x1  }
0x8a: {  	s1 =	srdreg.scid  }
0x8b: {  	s0 =	sand.u32 $0x1, s1  }
0x8c: {  	s14 =	sshll.u32 s0, $0xA;
	s2 =	sadd.s32 s3, s2  }
0x8d: {  	s2 =	sadd.s32 s2, s14  }
0x8e: {  	[smem:$0x3FC3] =	sst s2  }
0x8f: {  	_ = 	snop  }
0x90: {  	s2 =	sld [smem:$0x3FD0];
	_ =	sdelay $0x2  }
0x91: {  	s15 =	simm.s32 $0xA;
	s4 =	simm.s32 $0x10  }
0x92: {  	[smem:s4], [sflag:s15] =	dma.local [hbm:s2], $0x1  }
0x93: {  	_ =	swait.eq [sflag:s15], $0x1  }
0x94: {  	[sflag:s15] =	ssyncset.done $0x0  }
0x95: {  	[sflag:s15] =	ssyncadd.s32 $0xFFFFFFFF  }
0x96: {  	s16 =	sld [smem:$0x10];
	(tm) =	ssettm $0x1  }
0x97: {  	s17 =	sld [smem:$0x3FFB];
	_ =	sdelay $0x3  }
0x98: {  	_ =	strace s17  }
0x99: {  	s3 =	sld [smem:$0x3FFC];
	_ =	sdelay $0x3  }
0x9a: {  	_ =	strace s3  }
0x9b: {  	s3 =	sld [smem:$0x3FFD];
	_ =	sdelay $0x3  }
0x9c: {  	_ =	strace s3  }
0x9d: {  	_ =	strace $0x8FFFFFFF  }
0x9e: {  	s18 =	sld [smem:$0x3FDB];
	_ =	sdelay $0x1  }
0x9f: {  	s19 =	simm.s32 $_scs_section_size  }
0xa0: {  	s5 =	simm.s32 $_size__tile_overlayer_lowered;
	s6 =	simm.s32 $_tile_overlayer_lowered  }
0xa1: {  	s22 =	simm.s32 $0x1BFF;
	s21 =	sshll.u32 s6, $0x1;
	s3 =	sadd.s32 s19, s18  }
0xa2: {  	s7 =	simm.s32 $0x0;
	s20 =	sshll.u32 s5, $0x1;
	s5 =	sadd.s32 s21, s3  }
0xa3: {  	[timem:s7], [sflag:s22] =	dma.local [hbm:s5], s20  }
0xa4: {  	_ =	swait.ge [sflag:s22], s20  }
0xa5: {  	s4 =	ssub.s32 $0x0, s20;
	[sflag:s22] =	ssyncset.done $0x0  }
0xa6: {  	[sflag:s22] =	ssyncadd.s32 s4;
	_ =	sdelay $0x1  }
0xa7: {  	s23 =	simm.s32 $0x1B8B  }
0xa8: {  	_ =	swait.ge [sflag:s23], $0x1  }
0xa9: {  	[sflag:s23] =	ssyncset.done $0x0  }
0xaa: {  	s25 =	simm.s32 $0x1B8E;
	s24 =	sld [smem:$0x3FFE];
	[sflag:s23] =	ssyncadd.s32 $0xFFFFFFFF  }
0xab: {  	s26 =	simm.s32 $execute0_lowered;
	[smem:$0x3FD2] =	sst s25  }
0xac: {  	s5 =	sshll.u32 s26, $0x1;
	_ =	strace $0x80000049;
	[dreg:$0x1] =	wrdreg $0xFFFFFFFF  }
0xad: {  	s28 =	simm.s32 $_size_execute0_lowered;
	s3 =	sadd.s32 s3, s5;
	[dreg:$0x0] =	wrdreg $0x0  }
0xae: {  	s5 =	sshll.u32 s28, $0x1;
	[dreg:$0x2] =	wrdreg s3  }
0xaf: {  	[dreg:$0x3] =	wrdreg s5  }
0xb0: {  	[dreg:$0x4] =	wrdreg $0xC0  }
0xb1: {  	_ =	task [dreg:s7], $0x5FFFF  }
0xb2: {  	[dreg:$0x1] =	wrdreg $0xFFFFFFFF  }
0xb3: {  	[dreg:$0x0] =	wrdreg $0x60  }
0xb4: {  	[dreg:$0x2] =	wrdreg s24  }
0xb5: {  	[dreg:$0x3] =	wrdreg s16  }
0xb6: {  	[dreg:$0x4] =	wrdreg $0x9  }
0xb7: {  	_ =	task.clear_ibuf [dreg:s7], $0x5FFFF;
	_ =	strace $0x90000049  }
0xb8: {  	s29 =	simm.s32 $0x9;
	_ =	strace $0x8000004B  }
0xb9: {  	_ =	swait.ge [sflag:s29], $0x1  }
0xba: {  	[sflag:s29] =	ssyncadd.s32 $0xFFFFFFFF  }
0xbb: {  	_ =	strace $0x9000004B  }
0xbc: {  	_ =	sfence  }
0xbd: {  	s30 =	sld [smem:$0x0];
	_ =	sdelay $0x2  }
0xbe: {  	s31 =	sshll.u32 s1, $0xD;
	s1 =	sshrl.u32 s1, $0x2  }
0xbf: {  	s3 =	sand.u32 $0x4000, s31;
	s1 =	sadd.s32 s1, s30  }
0xc0: {  	s0 =	sor.u32 s3, s0;
	s1 =	sshll.u32 s1, $0x11  }
0xc1: {  	s0 =	sor.u32 s1, s0  }
0xc2: {  	s0 =	sadd.s32 $0x8F2B, s0  }
0xc3: {  	[sflag:s0] =	ssyncadd.remote.s32 $0x1  }
0xc4: {  	_ =	sfence.sel $0xFFFF  }
0xc5: {  	[dreg:$0x0] =	wrdreg $0xFFFFFFFF;
	(pc) =	sbr.abs _section_cstart, $3  }
0xc6: {  	[dreg:$0x1] =	wrdreg $0xFFFFFFFF  }
0xc7: {  	_ =	task.clear_ibuf [dreg:s7], $0x2FFFF;
	_ =	strace $0x9FFFFFFF  }
0xc8: {  	(tm) =	ssettm $0x7FFFFFFF  }
0xc9: {  	_ =	shalt  }
tec
execute0_lowered:
.L_overlay_start_1:
0x0: {  	(tag) =	ssettag $0x1  }
0x1: {  	s0 =	rddreg [dreg:$0x0]  }
0x2: {  	s2 =	rddreg [dreg:$0x1]  }
0x3: {  	s1 =	simm.s32 $0x0;
	s4 =	srdreg.scid;
	s6 =	stileid.u32  }
0x4: {  	s14 =	simm.s32 $0xA800;
	s15 =	simm.s32 $0xC000;
	s16 =	simm.s32 $0xD000  }
0x5: {  	s17 =	simm.s32 $0xE000;
	s28 =	simm.s32 $0xF000;
	s29 =	simm.s32 $0xF800  }
0x6: {  	s30 =	simm.s32 $0x1;
	s31 =	simm.s32 $0x10000;
	[smem:$0x7FF] =	sst s1  }
0x7: {  	s3 =	sadd.s32 $0x940600, s0;
	s4 =	sand.u32 $0x1, s4;
	s5 =	sadd.s32 $0x10000, s0  }
0x8: {  	s6 =	sshll.u32 s6, $0x7;
	s11 =	sadd.s32 $0x10200, s0;
	s19 =	sadd.s32 $0x8000, s0  }
0x9: {  	s10 =	sadd.s32 $0x940900, s0;
	s7 =	sshll.u32 s4, $0x6;
	s4 =	ssub.s32 $0x2, s4  }
0xa: {  	_ =	strace $0x8000004A;
	s6 =	sor.u32 s7, s6;
	s8 =	sshrl.u32 s4, $0x1  }
0xb: {  	s9 =	sshrl.u32 s6, $0x3;
	s4 =	ssub.s32 s4, s8;
	s21 =	sshll.u32 s6, $0x4  }
0xc: {  	s12 =	sor.u32 $0x20, s6;
	s6 =	sshll.u32 s6, $0x7;
	s20 =	sadd.s32 s5, s9  }
0xd: {  	s9 =	sadd.s32 s11, s9;
	s22 =	sadd.s32 s0, s21;
	[dreg:$0x3] =	wrdreg s20  }
0xe: {  	s8 =	sadd.s32 s19, s21;
	s13 =	sshrl.u32 s12, $0x3;
	[dreg:$0x4] =	wrdreg s9  }
0xf: {  	s6 =	sadd.s32 s2, s6;
	s23 =	sshll.u32 s12, $0x4;
	[dreg:$0x5] =	wrdreg s22  }
0x10: {  	s25 =	sshll.u32 s12, $0x7;
	s26 =	smax.u32 s4, $0x1;
	[dreg:$0x6] =	wrdreg s8  }
0x11: {  	s21 =	simm.s32 $0xA000;
	s8 =	sadd.s32 $0x940700, s0;
	[dreg:$0x7] =	wrdreg s6  }
0x12: {  	s9 =	sadd.s32 $0x940800, s0;
	s5 =	sadd.s32 s5, s13;
	[dreg:$0xd] =	wrdreg s26  }
0x13: {  	s24 =	sadd.s32 s11, s13;
	s0 =	sadd.s32 s0, s23;
	[dreg:$0x8] =	wrdreg s5  }
0x14: {  	s20 =	simm.s32 $0x18000;
	s13 =	simm.s32 $0x9800;
	[dreg:$0x9] =	wrdreg s24  }
0x15: {  	s22 =	simm.s32 $0xB000;
	s26 =	simm.s32 $0xE800;
	[dreg:$0xa] =	wrdreg s0  }
0x16: {  	v2 =	vlaneseq.u32;
	s5 =	sadd.s32 s19, s23;
	s0 =	sadd.s32 s2, s25;
	s19 =	simm.s32 $0x2  }
0x17: {  	vm0 =	vmmov $0xffff;
	v1 =	vshrl.u32 v2, $0x3;
	s23 =	simm.s32 $0xB800;
	s24 =	simm.s32 $0xC800;
	[dreg:$0xb] =	wrdreg s5  }
0x18: {  	v0 =	vand.u32 $0x7, v2;
	v2 =	vor.u32 $0x8, v2;
	v1 =	vmul.u32 $0x8, v1;
	s25 =	simm.s32 $0xD800;
	[dreg:$0xc] =	wrdreg s0;
	s0 =	simm.s32 $0x0  }
.LBB2_1:
0x19: {  	s2 =	rddreg [dreg:$0x3]  }
0x1a: {  	[tilespmem:s20], [sflag:$0x2] =	stream.linear.gather [hbm4b:s2+s1], $0x20, $0x38;
	[tilespmem:$0x1A100] =	vst v63  }
0x1b: {  	_ =	swait.ge [sflag:s19], $0x20  }
0x1c: {  	[sflag:s19] =	ssyncset.done $0x0  }
0x1d: {  	s4 =	simm.s32 $0x18080;
	s11 =	rddreg [dreg:$0x4];
	[sflag:s19] =	ssyncadd.s32 $0xFFFFFFE0  }
0x1e: {  	[tilespmem:s4], [sflag:$0x2] =	stream.linear.gather [hbm4b:s11+s1], $0x20, $0x38;
	[tilespmem:$0x1A100] =	vst v63  }
0x1f: {  	_ =	swait.ge [sflag:s19], $0x20  }
0x20: {  	[sflag:s19] =	ssyncset.done $0x0  }
0x21: {  	s18 =	simm.s32 $0x18100;
	s12 =	rddreg [dreg:$0x5];
	[sflag:s19] =	ssyncadd.s32 $0xFFFFFFE0  }
0x22: {  	[tilespmem:s18], [sflag:$0x2] =	stream.linear.gather [hbm4b:s12+s1], $0x1000, $0x38;
	[tilespmem:$0x1A100] =	vst v63  }
0x23: {  	_ =	swait.ge [sflag:s19], $0x1000  }
0x24: {  	[sflag:s19] =	ssyncset.done $0x0  }
0x25: {  	s6 =	simm.s32 $0x19100;
	s5 =	rddreg [dreg:$0x6];
	[sflag:s19] =	ssyncadd.s32 $0xFFFFF000  }
0x26: {  	[tilespmem:s6], [sflag:$0x2] =	stream.linear.gather [hbm4b:s5+s1], $0x1000, $0x38;
	[tilespmem:$0x1A100] =	vst v63  }
0x27: {  	_ =	swait.ge [sflag:s19], $0x1000  }
0x28: {  	[sflag:s19] =	ssyncset.done $0x0  }
0x29: {  	[sflag:s19] =	ssyncadd.s32 $0xFFFFF000  }
0x2a: {  	v3 =	vld [tilespmem:$0x18000];
	_ =	sdelay $0x4  }
0x2b: {  	v4 =	vshll.u32 v3, $0x3  }
0x2c: {  	v3 =	vand.u32 $0x7, v3;
	v4 =	vand.u32 $0xFFFFFFC0, v4  }
0x2d: {  	v3 =	vor.u32 v3, v4  }
0x2e: {  	v4 =	vperm.xlane v3, v0;
	_ =	sdelay $0x1  }
0x2f: {  	v4 =	vadd.s32 v1, v4;
	_ =	sdelay $0x4  }
0x30: {  	[tilespmem:s1], [sflag:$0x1] =	stream.indirect_vreg.gather [hbm4b:s3+s1], $0x80, v4, vm0, $0xb8;
	[tilespmem:$0x1A100] =	vst v63  }
0x31: {  	s7 =	simm.s32 $0x800;
	v3 =	vperm.xlane v3, v2  }
0x32: {  	[tilespmem:s7], [sflag:$0x1] =	stream.indirect_vreg.gather [hbm4b:s8+s1], $0x80, v4, vm0, $0xb8;
	[tilespmem:$0x1A100] =	vst v63  }
0x33: {  	s11 =	simm.s32 $0x1000;
	v3 =	vadd.s32 v1, v3  }
0x34: {  	[tilespmem:s11], [sflag:$0x1] =	stream.indirect_vreg.gather [hbm4b:s9+s1], $0x80, v4, vm0, $0xb8;
	[tilespmem:$0x1A100] =	vst v63  }
0x35: {  	s12 =	simm.s32 $0x1800  }
0x36: {  	[tilespmem:s12], [sflag:$0x1] =	stream.indirect_vreg.gather [hbm4b:s10+s1], $0x80, v4, vm0, $0xb8;
	[tilespmem:$0x1A100] =	vst v63  }
0x37: {  	s18 =	simm.s32 $0x2000  }
0x38: {  	[tilespmem:s18], [sflag:$0x1] =	stream.indirect_vreg.gather [hbm4b:s3+s1], $0x80, v3, vm0, $0xb8;
	[tilespmem:$0x1A100] =	vst v63  }
0x39: {  	s4 =	simm.s32 $0x2800  }
0x3a: {  	[tilespmem:s4], [sflag:$0x1] =	stream.indirect_vreg.gather [hbm4b:s8+s1], $0x80, v3, vm0, $0xb8;
	[tilespmem:$0x1A100] =	vst v63  }
0x3b: {  	s5 =	simm.s32 $0x3000  }
0x3c: {  	[tilespmem:s5], [sflag:$0x1] =	stream.indirect_vreg.gather [hbm4b:s9+s1], $0x80, v3, vm0, $0xb8;
	[tilespmem:$0x1A100] =	vst v63  }
0x3d: {  	s6 =	simm.s32 $0x3800  }
0x3e: {  	[tilespmem:s6], [sflag:$0x1] =	stream.indirect_vreg.gather [hbm4b:s10+s1], $0x80, v3, vm0, $0xb8;
	[tilespmem:$0x1A100] =	vst v63  }
0x3f: {  	v3 =	vld [tilespmem:$0x18010];
	_ =	sdelay $0x4  }
0x40: {  	v61 =	vshll.u32 v3, $0x3  }
0x41: {  	v3 =	vand.u32 $0x7, v3;
	v4 =	vand.u32 $0xFFFFFFC0, v61  }
0x42: {  	v3 =	vor.u32 v3, v4  }
0x43: {  	v4 =	vperm.xlane v3, v0;
	_ =	sdelay $0x1  }
0x44: {  	v4 =	vadd.s32 v1, v4;
	_ =	sdelay $0x3  }
0x45: {  	s7 =	simm.s32 $0x4000  }
0x46: {  	[tilespmem:s7], [sflag:$0x1] =	stream.indirect_vreg.gather [hbm4b:s3+s1], $0x80, v4, vm0, $0xb8;
	[tilespmem:$0x1A100] =	vst v63  }
0x47: {  	s11 =	simm.s32 $0x4800;
	v3 =	vperm.xlane v3, v2  }
0x48: {  	[tilespmem:s11], [sflag:$0x1] =	stream.indirect_vreg.gather [hbm4b:s8+s1], $0x80, v4, vm0, $0xb8;
	[tilespmem:$0x1A100] =	vst v63  }
0x49: {  	s12 =	simm.s32 $0x5000;
	v3 =	vadd.s32 v1, v3  }
0x4a: {  	[tilespmem:s12], [sflag:$0x1] =	stream.indirect_vreg.gather [hbm4b:s9+s1], $0x80, v4, vm0, $0xb8;
	[tilespmem:$0x1A100] =	vst v63  }
0x4b: {  	s18 =	simm.s32 $0x5800  }
0x4c: {  	[tilespmem:s18], [sflag:$0x1] =	stream.indirect_vreg.gather [hbm4b:s10+s1], $0x80, v4, vm0, $0xb8;
	[tilespmem:$0x1A100] =	vst v63  }
0x4d: {  	s4 =	simm.s32 $0x6000  }
0x4e: {  	[tilespmem:s4], [sflag:$0x1] =	stream.indirect_vreg.gather [hbm4b:s3+s1], $0x80, v3, vm0, $0xb8;
	[tilespmem:$0x1A100] =	vst v63  }
0x4f: {  	s5 =	simm.s32 $0x6800  }
0x50: {  	[tilespmem:s5], [sflag:$0x1] =	stream.indirect_vreg.gather [hbm4b:s8+s1], $0x80, v3, vm0, $0xb8;
	[tilespmem:$0x1A100] =	vst v63  }
0x51: {  	s6 =	simm.s32 $0x7000  }
0x52: {  	[tilespmem:s6], [sflag:$0x1] =	stream.indirect_vreg.gather [hbm4b:s9+s1], $0x80, v3, vm0, $0xb8;
	[tilespmem:$0x1A100] =	vst v63  }
0x53: {  	s7 =	simm.s32 $0x7800  }
0x54: {  	[tilespmem:s7], [sflag:$0x1] =	stream.indirect_vreg.gather [hbm4b:s10+s1], $0x80, v3, vm0, $0xb8;
	[tilespmem:$0x1A100] =	vst v63  }
0x55: {  	v3 =	vld [tilespmem:$0x18080];
	_ =	sdelay $0x4  }
0x56: {  	v62 =	vshll.u32 v3, $0x3  }
0x57: {  	v3 =	vand.u32 $0x7, v3;
	v4 =	vand.u32 $0xFFFFFFC0, v62  }
0x58: {  	v3 =	vor.u32 v3, v4  }
0x59: {  	v4 =	vperm.xlane v3, v0;
	_ =	sdelay $0x1  }
0x5a: {  	v4 =	vadd.s32 v1, v4;
	_ =	sdelay $0x3  }
0x5b: {  	s11 =	simm.s32 $0x8000  }
0x5c: {  	[tilespmem:s11], [sflag:$0x1] =	stream.indirect_vreg.gather [hbm4b:s3+s1], $0x80, v4, vm0, $0xb8;
	[tilespmem:$0x1A100] =	vst v63  }
0x5d: {  	s12 =	simm.s32 $0x8800;
	v3 =	vperm.xlane v3, v2  }
0x5e: {  	[tilespmem:s12], [sflag:$0x1] =	stream.indirect_vreg.gather [hbm4b:s8+s1], $0x80, v4, vm0, $0xb8;
	[tilespmem:$0x1A100] =	vst v63  }
0x5f: {  	s18 =	simm.s32 $0x9000;
	v3 =	vadd.s32 v1, v3  }
0x60: {  	[tilespmem:s18], [sflag:$0x1] =	stream.indirect_vreg.gather [hbm4b:s9+s1], $0x80, v4, vm0, $0xb8;
	[tilespmem:$0x1A100] =	vst v63  }
0x61: {  	_ = 	snop  }
0x62: {  	[tilespmem:s13], [sflag:$0x1] =	stream.indirect_vreg.gather [hbm4b:s10+s1], $0x80, v4, vm0, $0xb8;
	[tilespmem:$0x1A100] =	vst v63  }
0x63: {  	_ = 	snop  }
0x64: {  	[tilespmem:s21], [sflag:$0x1] =	stream.indirect_vreg.gather [hbm4b:s3+s1], $0x80, v3, vm0, $0xb8;
	[tilespmem:$0x1A100] =	vst v63  }
0x65: {  	_ = 	snop  }
0x66: {  	[tilespmem:s14], [sflag:$0x1] =	stream.indirect_vreg.gather [hbm4b:s8+s1], $0x80, v3, vm0, $0xb8;
	[tilespmem:$0x1A100] =	vst v63  }
0x67: {  	_ = 	snop  }
0x68: {  	[tilespmem:s22], [sflag:$0x1] =	stream.indirect_vreg.gather [hbm4b:s9+s1], $0x80, v3, vm0, $0xb8;
	[tilespmem:$0x1A100] =	vst v63  }
0x69: {  	_ = 	snop  }
0x6a: {  	[tilespmem:s23], [sflag:$0x1] =	stream.indirect_vreg.gather [hbm4b:s10+s1], $0x80, v3, vm0, $0xb8;
	[tilespmem:$0x1A100] =	vst v63  }
0x6b: {  	v3 =	vld [tilespmem:$0x18090];
	_ =	sdelay $0x4  }
0x6c: {  	v63 =	vshll.u32 v3, $0x3  }
0x6d: {  	v3 =	vand.u32 $0x7, v3;
	v4 =	vand.u32 $0xFFFFFFC0, v63  }
0x6e: {  	v3 =	vor.u32 v3, v4  }
0x6f: {  	v4 =	vperm.xlane v3, v0;
	_ =	sdelay $0x1  }
0x70: {  	v4 =	vadd.s32 v1, v4;
	_ =	sdelay $0x4  }
0x71: {  	[tilespmem:s15], [sflag:$0x1] =	stream.indirect_vreg.gather [hbm4b:s3+s1], $0x80, v4, vm0, $0xb8;
	[tilespmem:$0x1A100] =	vst v63  }
0x72: {  	v3 =	vperm.xlane v3, v2  }
0x73: {  	[tilespmem:s24], [sflag:$0x1] =	stream.indirect_vreg.gather [hbm4b:s8+s1], $0x80, v4, vm0, $0xb8;
	[tilespmem:$0x1A100] =	vst v63  }
0x74: {  	v3 =	vadd.s32 v1, v3  }
0x75: {  	[tilespmem:s16], [sflag:$0x1] =	stream.indirect_vreg.gather [hbm4b:s9+s1], $0x80, v4, vm0, $0xb8;
	[tilespmem:$0x1A100] =	vst v63  }
0x76: {  	_ = 	snop  }
0x77: {  	[tilespmem:s25], [sflag:$0x1] =	stream.indirect_vreg.gather [hbm4b:s10+s1], $0x80, v4, vm0, $0xb8;
	[tilespmem:$0x1A100] =	vst v63  }
0x78: {  	_ = 	snop  }
0x79: {  	[tilespmem:s17], [sflag:$0x1] =	stream.indirect_vreg.gather [hbm4b:s3+s1], $0x80, v3, vm0, $0xb8;
	[tilespmem:$0x1A100] =	vst v63  }
0x7a: {  	_ = 	snop  }
0x7b: {  	[tilespmem:s26], [sflag:$0x1] =	stream.indirect_vreg.gather [hbm4b:s8+s1], $0x80, v3, vm0, $0xb8;
	[tilespmem:$0x1A100] =	vst v63  }
0x7c: {  	_ = 	snop  }
0x7d: {  	[tilespmem:s28], [sflag:$0x1] =	stream.indirect_vreg.gather [hbm4b:s9+s1], $0x80, v3, vm0, $0xb8;
	[tilespmem:$0x1A100] =	vst v63  }
0x7e: {  	_ = 	snop  }
0x7f: {  	[tilespmem:s29], [sflag:$0x1] =	stream.indirect_vreg.gather [hbm4b:s10+s1], $0x80, v3, vm0, $0xb8;
	[tilespmem:$0x1A100] =	vst v63  }
0x80: {  	_ =	swait.ge [sflag:s30], $0x8000  }
0x81: {  	[sflag:s30] =	ssyncset.done $0x0  }
0x82: {  	[sflag:s30] =	ssyncadd.s32 $0xFFFF8000  }
0x83: {  	_ =	swait.ge [sflag:s30], $0x8000  }
0x84: {  	[sflag:s30] =	ssyncset.done $0x0  }
0x85: {  	s2 =	simm.s32 $0x0;
	[sflag:s30] =	ssyncadd.s32 $0xFFFF8000  }
.LBB2_2:
0x86: {  	s6 =	sshll.u32 s2, $0x7;
	s4 =	sshll.u32 s2, $0xA  }
0x87: {  	s5 =	sand.u32 $0x6000, s4;
	s7 =	sand.u32 $0x380, s6;
	s4 =	simm.s32 $0x0  }
0x88: {  	s5 =	sor.u32 s5, s7;
	s12 =	sand.u32 $0x40, s4  }
0x89: {  	v3 =	vld [tilespmem:s6+$0x18100];
	s11 =	sand.u32 $0x1C00, s4;
	s7 =	sor.u32 s12, s5  }
0x8a: {  	v4 =	vld [tilespmem:s6+$0x19100];
	s7 =	sor.u32 s11, s7  }
0x8b: {  	v5 =	vld [tilespmem:s7+$0x0]  }
0x8c: {  	v6 =	vld [tilespmem:s7+$0x8000];
	_ =	sdelay $0x4  }
0x8d: {  	v5 =	vmul.f32 v5, v3;
	v6 =	vmul.f32 v6, v4;
	_ =	sdelay $0x1  }
0x8e: {  	v5 =	vadd.f32 v6, v5;
	_ =	sdelay $0x1  }
0x8f: {  	s18 =	sor.u32 $0x10, s7;
	[tilespmem:s7+$0x10000] =	vst v5  }
0x90: {  	s11 =	sor.u32 $0x8010, s7;
	v5 =	vld [tilespmem:s18+$0x0]  }
0x91: {  	v6 =	vld [tilespmem:s11+$0x0];
	_ =	sdelay $0x4  }
0x92: {  	v5 =	vmul.f32 v5, v3;
	v6 =	vmul.f32 v6, v4;
	_ =	sdelay $0x1  }
0x93: {  	v5 =	vadd.f32 v6, v5  }
0x94: {  	s11 =	sor.u32 $0x10010, s7  }
0x95: {  	s12 =	sor.u32 $0x20, s7;
	[tilespmem:s11+$0x0] =	vst v5  }
0x96: {  	s18 =	sor.u32 $0x8020, s7;
	v5 =	vld [tilespmem:s12+$0x0]  }
0x97: {  	v6 =	vld [tilespmem:s18+$0x0];
	_ =	sdelay $0x4  }
0x98: {  	v5 =	vmul.f32 v5, v3;
	v6 =	vmul.f32 v6, v4;
	_ =	sdelay $0x1  }
0x99: {  	v5 =	vadd.f32 v6, v5  }
0x9a: {  	s11 =	sor.u32 $0x10020, s7  }
0x9b: {  	s12 =	sor.u32 $0x30, s7;
	[tilespmem:s11+$0x0] =	vst v5  }
0x9c: {  	s18 =	sor.u32 $0x8030, s7;
	v5 =	vld [tilespmem:s12+$0x0]  }
0x9d: {  	v6 =	vld [tilespmem:s18+$0x0];
	_ =	sdelay $0x3  }
0x9e: {  	s6 =	simm.s32 $0x0;
	s12 =	sor.u32 $0x10030, s7;
	s7 =	simm.s32 $0x0;
	v5 =	vmul.f32 v5, v3  }
.LBB2_3:
0x9f: {  	s6 =	sadd.s32 $0x4, s6;
	v6 =	vmul.f32 v6, v4;
	s4 =	sadd.s32 $0x200, s4;
	s7 =	sadd.s32 $0x40, s7  }
0xa0: {  	p0 =	slt.u32 s6, $0x3C  }
0xa1: {  	s11 =	sand.u32 $0x40, s7;
	v5 =	vadd.f32 v6, v5  }
0xa2: {  	s18 =	sand.u32 $0x1C00, s4;
	s11 =	sor.u32 s11, s5  }
0xa3: {  	s11 =	sor.u32 s18, s11;
	[tilespmem:s12+$0x0] =	vst v5  }
0xa4: {  	v5 =	vld [tilespmem:s11+$0x0]  }
0xa5: {  	v6 =	vld [tilespmem:s11+$0x8000];
	_ =	sdelay $0x3  }
0xa6: {  	v5 =	vmul.f32 v5, v3  }
0xa7: {  	v6 =	vmul.f32 v6, v4;
	_ =	sdelay $0x1  }
0xa8: {  	v5 =	vadd.f32 v6, v5;
	_ =	sdelay $0x1  }
0xa9: {  	s12 =	sor.u32 $0x10, s11;
	s18 =	sor.u32 $0x8010, s11;
	[tilespmem:s11+$0x10000] =	vst v5  }
0xaa: {  	v5 =	vld [tilespmem:s12+$0x0]  }
0xab: {  	v6 =	vld [tilespmem:s18+$0x0];
	_ =	sdelay $0x3  }
0xac: {  	v5 =	vmul.f32 v5, v3  }
0xad: {  	v6 =	vmul.f32 v6, v4  }
0xae: {  	s12 =	sor.u32 $0x10010, s11  }
0xaf: {  	v5 =	vadd.f32 v6, v5;
	_ =	sdelay $0x1  }
0xb0: {  	s18 =	sor.u32 $0x8020, s11;
	[tilespmem:s12+$0x0] =	vst v5;
	s12 =	sor.u32 $0x20, s11  }
0xb1: {  	v5 =	vld [tilespmem:s12+$0x0]  }
0xb2: {  	v6 =	vld [tilespmem:s18+$0x0];
	_ =	sdelay $0x3  }
0xb3: {  	v5 =	vmul.f32 v5, v3  }
0xb4: {  	s12 =	sor.u32 $0x10020, s11;
	v6 =	vmul.f32 v6, v4;
	_ =	sdelay $0x1  }
0xb5: {  	v5 =	vadd.f32 v6, v5;
	_ =	sdelay $0x1  }
0xb6: {  	s18 =	sor.u32 $0x8030, s11;
	[tilespmem:s12+$0x0] =	vst v5;
	s12 =	sor.u32 $0x30, s11  }
0xb7: {  	v5 =	vld [tilespmem:s12+$0x0]  }
.Ltmp0:
0xb8: {  	v6 =	vld [tilespmem:s18+$0x0];
	(pc) =	sbr.rel @p0 .LBB2_3-.Ltmp0, $2  }
0xb9: {  	_ =	sdelay $0x2  }
0xba: {  	s12 =	sor.u32 $0x10030, s11;
	v5 =	vmul.f32 v5, v3  }
0xbb: {  	s2 =	sadd.s32 $0x1, s2  }
0xbc: {  	p0 =	sne.s32 s2, $0x20  }
.Ltmp1:
0xbd: {  	v3 =	vmul.f32 v6, v4;
	(pc) =	sbr.rel @p0 .LBB2_2-.Ltmp1, $3  }
0xbe: {  	_ = 	snop  }
0xbf: {  	v3 =	vadd.f32 v3, v5;
	_ =	sdelay $0x1  }
0xc0: {  	[tilespmem:s12+$0x0] =	vst v3  }
0xc1: {  	s2 =	simm.s32 $0x0;
	s4 =	rddreg [dreg:$0x7]  }
0xc2: {  	[hbm4b:s4+s2] =	stream.linear.scatter [tilespmem:s31], [sflag:$0x2], $0x8000, $0x38;
	[tilespmem:$0x1A100] =	vst v63  }
0xc3: {  	_ =	swait.ge [sflag:s19], $0x8000  }
0xc4: {  	[sflag:s19] =	ssyncset.done $0x0  }
0xc5: {  	s11 =	rddreg [dreg:$0x8];
	[sflag:s19] =	ssyncadd.s32 $0xFFFF8000  }
0xc6: {  	[tilespmem:s20], [sflag:$0x2] =	stream.linear.gather [hbm4b:s11+s2], $0x20, $0x38;
	[tilespmem:$0x1A100] =	vst v63  }
0xc7: {  	_ =	swait.ge [sflag:s19], $0x20  }
0xc8: {  	[sflag:s19] =	ssyncset.done $0x0  }
0xc9: {  	s5 =	simm.s32 $0x18080;
	s12 =	rddreg [dreg:$0x9];
	[sflag:s19] =	ssyncadd.s32 $0xFFFFFFE0  }
0xca: {  	[tilespmem:s5], [sflag:$0x2] =	stream.linear.gather [hbm4b:s12+s2], $0x20, $0x38;
	[tilespmem:$0x1A100] =	vst v63  }
0xcb: {  	_ =	swait.ge [sflag:s19], $0x20  }
0xcc: {  	[sflag:s19] =	ssyncset.done $0x0  }
0xcd: {  	s20 =	simm.s32 $0x18100;
	s18 =	rddreg [dreg:$0xa];
	[sflag:s19] =	ssyncadd.s32 $0xFFFFFFE0  }
0xce: {  	[tilespmem:s20], [sflag:$0x2] =	stream.linear.gather [hbm4b:s18+s2], $0x1000, $0x38;
	[tilespmem:$0x1A100] =	vst v63  }
0xcf: {  	_ =	swait.ge [sflag:s19], $0x1000  }
0xd0: {  	[sflag:s19] =	ssyncset.done $0x0  }
0xd1: {  	s7 =	simm.s32 $0x19100;
	s6 =	rddreg [dreg:$0xb];
	[sflag:s19] =	ssyncadd.s32 $0xFFFFF000  }
0xd2: {  	[tilespmem:s7], [sflag:$0x2] =	stream.linear.gather [hbm4b:s6+s2], $0x1000, $0x38;
	[tilespmem:$0x1A100] =	vst v63  }
0xd3: {  	_ =	swait.ge [sflag:s19], $0x1000  }
0xd4: {  	[sflag:s19] =	ssyncset.done $0x0  }
0xd5: {  	[sflag:s19] =	ssyncadd.s32 $0xFFFFF000  }
0xd6: {  	v3 =	vld [tilespmem:$0x18000];
	_ =	sdelay $0x4  }
0xd7: {  	v4 =	vshll.u32 v3, $0x3  }
0xd8: {  	v3 =	vand.u32 $0x7, v3;
	v4 =	vand.u32 $0xFFFFFFC0, v4  }
0xd9: {  	v3 =	vor.u32 v3, v4  }
0xda: {  	v4 =	vperm.xlane v3, v0;
	_ =	sdelay $0x1  }
0xdb: {  	v4 =	vadd.s32 v1, v4;
	_ =	sdelay $0x4  }
0xdc: {  	[tilespmem:s2], [sflag:$0x1] =	stream.indirect_vreg.gather [hbm4b:s3+s2], $0x80, v4, vm0, $0xb8;
	[tilespmem:$0x1A100] =	vst v63  }
0xdd: {  	s11 =	simm.s32 $0x800;
	v3 =	vperm.xlane v3, v2  }
0xde: {  	[tilespmem:s11], [sflag:$0x1] =	stream.indirect_vreg.gather [hbm4b:s8+s2], $0x80, v4, vm0, $0xb8;
	[tilespmem:$0x1A100] =	vst v63  }
0xdf: {  	s12 =	simm.s32 $0x1000;
	v3 =	vadd.s32 v1, v3  }
0xe0: {  	[tilespmem:s12], [sflag:$0x1] =	stream.indirect_vreg.gather [hbm4b:s9+s2], $0x80, v4, vm0, $0xb8;
	[tilespmem:$0x1A100] =	vst v63  }
0xe1: {  	s18 =	simm.s32 $0x1800  }
0xe2: {  	[tilespmem:s18], [sflag:$0x1] =	stream.indirect_vreg.gather [hbm4b:s10+s2], $0x80, v4, vm0, $0xb8;
	[tilespmem:$0x1A100] =	vst v63  }
0xe3: {  	s20 =	simm.s32 $0x2000  }
0xe4: {  	[tilespmem:s20], [sflag:$0x1] =	stream.indirect_vreg.gather [hbm4b:s3+s2], $0x80, v3, vm0, $0xb8;
	[tilespmem:$0x1A100] =	vst v63  }
0xe5: {  	s5 =	simm.s32 $0x2800  }
0xe6: {  	[tilespmem:s5], [sflag:$0x1] =	stream.indirect_vreg.gather [hbm4b:s8+s2], $0x80, v3, vm0, $0xb8;
	[tilespmem:$0x1A100] =	vst v63  }
0xe7: {  	s6 =	simm.s32 $0x3000  }
0xe8: {  	[tilespmem:s6], [sflag:$0x1] =	stream.indirect_vreg.gather [hbm4b:s9+s2], $0x80, v3, vm0, $0xb8;
	[tilespmem:$0x1A100] =	vst v63  }
0xe9: {  	s7 =	simm.s32 $0x3800  }
0xea: {  	[tilespmem:s7], [sflag:$0x1] =	stream.indirect_vreg.gather [hbm4b:s10+s2], $0x80, v3, vm0, $0xb8;
	[tilespmem:$0x1A100] =	vst v63  }
0xeb: {  	v3 =	vld [tilespmem:$0x18010];
	_ =	sdelay $0x4  }
0xec: {  	v61 =	vshll.u32 v3, $0x3  }
0xed: {  	v3 =	vand.u32 $0x7, v3;
	v4 =	vand.u32 $0xFFFFFFC0, v61  }
0xee: {  	v3 =	vor.u32 v3, v4  }
0xef: {  	v4 =	vperm.xlane v3, v0;
	_ =	sdelay $0x1  }
0xf0: {  	v4 =	vadd.s32 v1, v4;
	_ =	sdelay $0x3  }
0xf1: {  	s11 =	simm.s32 $0x4000  }
0xf2: {  	[tilespmem:s11], [sflag:$0x1] =	stream.indirect_vreg.gather [hbm4b:s3+s2], $0x80, v4, vm0, $0xb8;
	[tilespmem:$0x1A100] =	vst v63  }
0xf3: {  	s12 =	simm.s32 $0x4800;
	v3 =	vperm.xlane v3, v2  }
0xf4: {  	[tilespmem:s12], [sflag:$0x1] =	stream.indirect_vreg.gather [hbm4b:s8+s2], $0x80, v4, vm0, $0xb8;
	[tilespmem:$0x1A100] =	vst v63  }
0xf5: {  	s18 =	simm.s32 $0x5000;
	v3 =	vadd.s32 v1, v3  }
0xf6: {  	[tilespmem:s18], [sflag:$0x1] =	stream.indirect_vreg.gather [hbm4b:s9+s2], $0x80, v4, vm0, $0xb8;
	[tilespmem:$0x1A100] =	vst v63  }
0xf7: {  	s20 =	simm.s32 $0x5800  }
0xf8: {  	[tilespmem:s20], [sflag:$0x1] =	stream.indirect_vreg.gather [hbm4b:s10+s2], $0x80, v4, vm0, $0xb8;
	[tilespmem:$0x1A100] =	vst v63  }
0xf9: {  	s5 =	simm.s32 $0x6000  }
0xfa: {  	[tilespmem:s5], [sflag:$0x1] =	stream.indirect_vreg.gather [hbm4b:s3+s2], $0x80, v3, vm0, $0xb8;
	[tilespmem:$0x1A100] =	vst v63  }
0xfb: {  	s6 =	simm.s32 $0x6800  }
0xfc: {  	[tilespmem:s6], [sflag:$0x1] =	stream.indirect_vreg.gather [hbm4b:s8+s2], $0x80, v3, vm0, $0xb8;
	[tilespmem:$0x1A100] =	vst v63  }
0xfd: {  	s7 =	simm.s32 $0x7000  }
0xfe: {  	[tilespmem:s7], [sflag:$0x1] =	stream.indirect_vreg.gather [hbm4b:s9+s2], $0x80, v3, vm0, $0xb8;
	[tilespmem:$0x1A100] =	vst v63  }
0xff: {  	s11 =	simm.s32 $0x7800  }
0x100: {  	[tilespmem:s11], [sflag:$0x1] =	stream.indirect_vreg.gather [hbm4b:s10+s2], $0x80, v3, vm0, $0xb8;
	[tilespmem:$0x1A100] =	vst v63  }
0x101: {  	v3 =	vld [tilespmem:$0x18080];
	_ =	sdelay $0x4  }
0x102: {  	v62 =	vshll.u32 v3, $0x3  }
0x103: {  	v3 =	vand.u32 $0x7, v3;
	v4 =	vand.u32 $0xFFFFFFC0, v62  }
0x104: {  	v3 =	vor.u32 v3, v4  }
0x105: {  	v4 =	vperm.xlane v3, v0;
	_ =	sdelay $0x1  }
0x106: {  	v4 =	vadd.s32 v1, v4;
	_ =	sdelay $0x3  }
0x107: {  	s12 =	simm.s32 $0x8000  }
0x108: {  	[tilespmem:s12], [sflag:$0x1] =	stream.indirect_vreg.gather [hbm4b:s3+s2], $0x80, v4, vm0, $0xb8;
	[tilespmem:$0x1A100] =	vst v63  }
0x109: {  	s18 =	simm.s32 $0x8800;
	v3 =	vperm.xlane v3, v2  }
0x10a: {  	[tilespmem:s18], [sflag:$0x1] =	stream.indirect_vreg.gather [hbm4b:s8+s2], $0x80, v4, vm0, $0xb8;
	[tilespmem:$0x1A100] =	vst v63  }
0x10b: {  	s20 =	simm.s32 $0x9000;
	v3 =	vadd.s32 v1, v3  }
0x10c: {  	[tilespmem:s20], [sflag:$0x1] =	stream.indirect_vreg.gather [hbm4b:s9+s2], $0x80, v4, vm0, $0xb8;
	[tilespmem:$0x1A100] =	vst v63  }
0x10d: {  	_ = 	snop  }
0x10e: {  	[tilespmem:s13], [sflag:$0x1] =	stream.indirect_vreg.gather [hbm4b:s10+s2], $0x80, v4, vm0, $0xb8;
	[tilespmem:$0x1A100] =	vst v63  }
0x10f: {  	_ = 	snop  }
0x110: {  	[tilespmem:s21], [sflag:$0x1] =	stream.indirect_vreg.gather [hbm4b:s3+s2], $0x80, v3, vm0, $0xb8;
	[tilespmem:$0x1A100] =	vst v63  }
0x111: {  	_ = 	snop  }
0x112: {  	[tilespmem:s14], [sflag:$0x1] =	stream.indirect_vreg.gather [hbm4b:s8+s2], $0x80, v3, vm0, $0xb8;
	[tilespmem:$0x1A100] =	vst v63  }
0x113: {  	_ = 	snop  }
0x114: {  	[tilespmem:s22], [sflag:$0x1] =	stream.indirect_vreg.gather [hbm4b:s9+s2], $0x80, v3, vm0, $0xb8;
	[tilespmem:$0x1A100] =	vst v63  }
0x115: {  	_ = 	snop  }
0x116: {  	[tilespmem:s23], [sflag:$0x1] =	stream.indirect_vreg.gather [hbm4b:s10+s2], $0x80, v3, vm0, $0xb8;
	[tilespmem:$0x1A100] =	vst v63  }
0x117: {  	v3 =	vld [tilespmem:$0x18090];
	_ =	sdelay $0x4  }
0x118: {  	v63 =	vshll.u32 v3, $0x3  }
0x119: {  	v3 =	vand.u32 $0x7, v3;
	v4 =	vand.u32 $0xFFFFFFC0, v63  }
0x11a: {  	v3 =	vor.u32 v3, v4  }
0x11b: {  	v4 =	vperm.xlane v3, v0;
	_ =	sdelay $0x1  }
0x11c: {  	v4 =	vadd.s32 v1, v4;
	_ =	sdelay $0x4  }
0x11d: {  	[tilespmem:s15], [sflag:$0x1] =	stream.indirect_vreg.gather [hbm4b:s3+s2], $0x80, v4, vm0, $0xb8;
	[tilespmem:$0x1A100] =	vst v63  }
0x11e: {  	v3 =	vperm.xlane v3, v2  }
0x11f: {  	[tilespmem:s24], [sflag:$0x1] =	stream.indirect_vreg.gather [hbm4b:s8+s2], $0x80, v4, vm0, $0xb8;
	[tilespmem:$0x1A100] =	vst v63  }
0x120: {  	v3 =	vadd.s32 v1, v3  }
0x121: {  	[tilespmem:s16], [sflag:$0x1] =	stream.indirect_vreg.gather [hbm4b:s9+s2], $0x80, v4, vm0, $0xb8;
	[tilespmem:$0x1A100] =	vst v63  }
0x122: {  	_ = 	snop  }
0x123: {  	[tilespmem:s25], [sflag:$0x1] =	stream.indirect_vreg.gather [hbm4b:s10+s2], $0x80, v4, vm0, $0xb8;
	[tilespmem:$0x1A100] =	vst v63  }
0x124: {  	_ = 	snop  }
0x125: {  	[tilespmem:s17], [sflag:$0x1] =	stream.indirect_vreg.gather [hbm4b:s3+s2], $0x80, v3, vm0, $0xb8;
	[tilespmem:$0x1A100] =	vst v63  }
0x126: {  	_ = 	snop  }
0x127: {  	[tilespmem:s26], [sflag:$0x1] =	stream.indirect_vreg.gather [hbm4b:s8+s2], $0x80, v3, vm0, $0xb8;
	[tilespmem:$0x1A100] =	vst v63  }
0x128: {  	_ = 	snop  }
0x129: {  	[tilespmem:s28], [sflag:$0x1] =	stream.indirect_vreg.gather [hbm4b:s9+s2], $0x80, v3, vm0, $0xb8;
	[tilespmem:$0x1A100] =	vst v63  }
0x12a: {  	_ = 	snop  }
0x12b: {  	[tilespmem:s29], [sflag:$0x1] =	stream.indirect_vreg.gather [hbm4b:s10+s2], $0x80, v3, vm0, $0xb8;
	[tilespmem:$0x1A100] =	vst v63  }
0x12c: {  	_ =	swait.ge [sflag:s30], $0x8000  }
0x12d: {  	[sflag:s30] =	ssyncset.done $0x0  }
0x12e: {  	[sflag:s30] =	ssyncadd.s32 $0xFFFF8000  }
0x12f: {  	_ =	swait.ge [sflag:s30], $0x8000  }
0x130: {  	[sflag:s30] =	ssyncset.done $0x0  }
0x131: {  	s4 =	simm.s32 $0x0;
	[sflag:s30] =	ssyncadd.s32 $0xFFFF8000  }
.LBB2_6:
0x132: {  	s6 =	sshll.u32 s4, $0x7;
	s5 =	sshll.u32 s4, $0xA  }
0x133: {  	s5 =	sand.u32 $0x6000, s5;
	s7 =	sand.u32 $0x380, s6  }
0x134: {  	s18 =	sand.u32 $0x40, s2;
	s5 =	sor.u32 s5, s7  }
0x135: {  	s11 =	sand.u32 $0x1C00, s2;
	v3 =	vld [tilespmem:s6+$0x18100];
	s7 =	sor.u32 s18, s5  }
0x136: {  	v4 =	vld [tilespmem:s6+$0x19100];
	s7 =	sor.u32 s11, s7  }
0x137: {  	v5 =	vld [tilespmem:s7+$0x0]  }
0x138: {  	v6 =	vld [tilespmem:s7+$0x8000];
	_ =	sdelay $0x4  }
0x139: {  	v5 =	vmul.f32 v5, v3;
	v6 =	vmul.f32 v6, v4;
	_ =	sdelay $0x1  }
0x13a: {  	v5 =	vadd.f32 v6, v5;
	_ =	sdelay $0x1  }
0x13b: {  	s20 =	sor.u32 $0x10, s7;
	[tilespmem:s7+$0x10000] =	vst v5  }
0x13c: {  	s11 =	sor.u32 $0x8010, s7;
	v5 =	vld [tilespmem:s20+$0x0]  }
0x13d: {  	v6 =	vld [tilespmem:s11+$0x0];
	_ =	sdelay $0x4  }
0x13e: {  	v5 =	vmul.f32 v5, v3;
	v6 =	vmul.f32 v6, v4;
	_ =	sdelay $0x1  }
0x13f: {  	v5 =	vadd.f32 v6, v5  }
0x140: {  	s12 =	sor.u32 $0x10010, s7  }
0x141: {  	s18 =	sor.u32 $0x20, s7;
	[tilespmem:s12+$0x0] =	vst v5  }
0x142: {  	s20 =	sor.u32 $0x8020, s7;
	v5 =	vld [tilespmem:s18+$0x0]  }
0x143: {  	v6 =	vld [tilespmem:s20+$0x0];
	_ =	sdelay $0x4  }
0x144: {  	v5 =	vmul.f32 v5, v3;
	v6 =	vmul.f32 v6, v4;
	_ =	sdelay $0x1  }
0x145: {  	v5 =	vadd.f32 v6, v5  }
0x146: {  	s12 =	sor.u32 $0x10020, s7  }
0x147: {  	s18 =	sor.u32 $0x30, s7;
	[tilespmem:s12+$0x0] =	vst v5  }
0x148: {  	s20 =	sor.u32 $0x8030, s7;
	v5 =	vld [tilespmem:s18+$0x0]  }
0x149: {  	v6 =	vld [tilespmem:s20+$0x0];
	_ =	sdelay $0x2  }
0x14a: {  	s6 =	simm.s32 $0x0  }
0x14b: {  	s11 =	simm.s32 $0x0;
	s12 =	sor.u32 $0x10030, s7;
	s7 =	simm.s32 $0x0;
	v5 =	vmul.f32 v5, v3  }
.LBB2_7:
0x14c: {  	s6 =	sadd.s32 $0x4, s6;
	v6 =	vmul.f32 v6, v4;
	s7 =	sadd.s32 $0x200, s7;
	s11 =	sadd.s32 $0x40, s11  }
0x14d: {  	p0 =	slt.u32 s6, $0x3C  }
0x14e: {  	s18 =	sand.u32 $0x40, s11;
	v5 =	vadd.f32 v6, v5  }
0x14f: {  	s20 =	sand.u32 $0x1C00, s7;
	s18 =	sor.u32 s18, s5  }
0x150: {  	s18 =	sor.u32 s20, s18;
	[tilespmem:s12+$0x0] =	vst v5  }
0x151: {  	v5 =	vld [tilespmem:s18+$0x0]  }
0x152: {  	v6 =	vld [tilespmem:s18+$0x8000];
	_ =	sdelay $0x3  }
0x153: {  	v5 =	vmul.f32 v5, v3  }
0x154: {  	v6 =	vmul.f32 v6, v4;
	_ =	sdelay $0x1  }
0x155: {  	v5 =	vadd.f32 v6, v5;
	_ =	sdelay $0x1  }
0x156: {  	s12 =	sor.u32 $0x10, s18;
	s20 =	sor.u32 $0x8010, s18;
	[tilespmem:s18+$0x10000] =	vst v5  }
0x157: {  	v5 =	vld [tilespmem:s12+$0x0]  }
0x158: {  	v6 =	vld [tilespmem:s20+$0x0];
	_ =	sdelay $0x3  }
0x159: {  	v5 =	vmul.f32 v5, v3  }
0x15a: {  	v6 =	vmul.f32 v6, v4  }
0x15b: {  	s12 =	sor.u32 $0x10010, s18  }
0x15c: {  	v5 =	vadd.f32 v6, v5;
	_ =	sdelay $0x1  }
0x15d: {  	s20 =	sor.u32 $0x8020, s18;
	[tilespmem:s12+$0x0] =	vst v5;
	s12 =	sor.u32 $0x20, s18  }
0x15e: {  	v5 =	vld [tilespmem:s12+$0x0]  }
0x15f: {  	v6 =	vld [tilespmem:s20+$0x0];
	_ =	sdelay $0x3  }
0x160: {  	v5 =	vmul.f32 v5, v3  }
0x161: {  	s12 =	sor.u32 $0x10020, s18;
	v6 =	vmul.f32 v6, v4;
	_ =	sdelay $0x1  }
0x162: {  	v5 =	vadd.f32 v6, v5;
	_ =	sdelay $0x1  }
0x163: {  	s20 =	sor.u32 $0x8030, s18;
	[tilespmem:s12+$0x0] =	vst v5;
	s12 =	sor.u32 $0x30, s18  }
0x164: {  	v5 =	vld [tilespmem:s12+$0x0]  }
.Ltmp2:
0x165: {  	v6 =	vld [tilespmem:s20+$0x0];
	(pc) =	sbr.rel @p0 .LBB2_7-.Ltmp2, $2  }
0x166: {  	_ =	sdelay $0x2  }
0x167: {  	s12 =	sor.u32 $0x10030, s18;
	v5 =	vmul.f32 v5, v3  }
0x168: {  	s4 =	sadd.s32 $0x1, s4  }
0x169: {  	p0 =	sne.s32 s4, $0x20  }
.Ltmp3:
0x16a: {  	v3 =	vmul.f32 v6, v4;
	(pc) =	sbr.rel @p0 .LBB2_6-.Ltmp3, $3  }
0x16b: {  	_ = 	snop  }
0x16c: {  	v3 =	vadd.f32 v3, v5;
	_ =	sdelay $0x1  }
0x16d: {  	[tilespmem:s12+$0x0] =	vst v3  }
0x16e: {  	s2 =	rddreg [dreg:$0xc]  }
0x16f: {  	[hbm4b:s2+s1] =	stream.linear.scatter [tilespmem:s31], [sflag:$0x2], $0x8000, $0x38;
	[tilespmem:$0x1A100] =	vst v63  }
0x170: {  	_ =	swait.ge [sflag:s19], $0x8000  }
0x171: {  	s0 =	sadd.s32 $0x1, s0;
	s20 =	rddreg [dreg:$0xd]  }
0x172: {  	p0 =	sne.s32 s0, s20  }
.Ltmp4:
0x173: {  	_ = 	snop;
	(pc) =	sbr.rel @p0 .LBB2_1-.Ltmp4, $3  }
0x174: {  	_ =	sdelay $0x1  }
0x175: {  	[sflag:s19] =	ssyncset.done $0x0  }
0x176: {  	[sflag:s19] =	ssyncadd.s32 $0xFFFF8000;
	s20 =	simm.s32 $0x18000  }
0x177: {  	_ =	sfence.sel $0x180000  }
0x178: {  	[bflag:$0x0] =	sbarrier.arrive $0xFFFF  }
0x179: {  	_ =	strace $0x9000004A  }
0x17a: {  	s0 =	stileid.u32;
	[bflag:$0x2] =	sbarrier.arrive $0xFFFF  }
0x17b: {  	p0 =	sne.s32 s0, $0x0;
	s0 =	rddreg [dreg:$0x2]  }
0x17c: {  	s0 =	sadd.s32 @!p0 $0x100000, s0  }
0x17d: {  	[sflag:s0] =	ssyncadd.tile.s32 @!p0 $0x1;
	_ =	shalt  }
.Lfunc_end2:
_tile_overlayer_lowered:
.L_overlay_start_2:
0x17e: {  	(tag) =	ssettag $0x2  }
0x17f: {  	s0 =	rddreg [dreg:$0x0];
	s2 =	stileid.u32  }
0x180: {  	s1 =	rddreg [dreg:$0x1];
	p0 =	sne.s32 s2, $0x0  }
0x181: {  	s3 =	rddreg [dreg:$0x2];
	[bflag:$0x3] =	sbarrier.arrive $0xFFFF;
	s2 =	simm.s32 @!p0 $0x1C02  }
0x182: {  	[timem:s3], [sflag:s2] =	dma.local @!p0 [hbm:s0], s1  }
0x183: {  	s0 =	simm.s32 @!p0 $0x2  }
0x184: {  	_ =	swait.ge @!p0 [sflag:s0], s1  }
0x185: {  	s1 =	ssub.s32 @!p0 $0x0, s1;
	[sflag:s0] =	ssyncset.done @!p0 $0x0  }
0x186: {  	[sflag:s0] =	ssyncadd.s32 @!p0 s1  }
0x187: {  	[bflag:$0x3] =	sbarrier.arrive $0xFFFF  }
0x188: {  	_ =	shalt  }

</sc_bundles>
